<compile_context>
chip_gen: v7x
topology: tpu7x:2x2x1
jax: 0.10.2.dev20260603
libtpu: 0.0.44.dev20260713+nightly
codegen_flags: <defaults>
</compile_context>

<pallas_src>
import jax
import jax.numpy as jnp
from jax.experimental import pallas as pl
from jax.experimental.pallas import tpu as pltpu
from jax.experimental.pallas import tpu_sc as plsc

_D = 1024
_E = 8
_H = 2048
_T = 2048

_TILE = 256
_NTILES = (2 * _T + _E * (_TILE - 1) + _TILE - 1) // _TILE
_NPAD = _NTILES * _TILE
_CHUNK = 256
_NCHX = _D // (2 * _CHUNK)
_NCHY = _D // _CHUNK
_WIN = 128


def _routing_kernel(x_ref, wr_ref, counts_ref, px1_ref, px2_ref,
                    py1_ref, py2_ref, w1_ref, w2_ref, eot_ref, live_ref):
    logits = jax.lax.dot_general(
        x_ref[...].astype(jnp.bfloat16), wr_ref[...].astype(jnp.bfloat16),
        (((1,), (0,)), ((), ())),
        preferred_element_type=jnp.float32)
    t, e = logits.shape
    col = jax.lax.broadcasted_iota(jnp.int32, (t, e), 1)

    v1 = jnp.max(logits, axis=1, keepdims=True)
    i1 = jnp.min(jnp.where(logits == v1, col, e), axis=1, keepdims=True)
    masked = jnp.where(col == i1, -jnp.inf, logits)
    v2 = jnp.max(masked, axis=1, keepdims=True)
    i2 = jnp.min(jnp.where(masked == v2, col, e), axis=1, keepdims=True)

    e2 = jnp.exp(v2 - v1)
    w1 = 1.0 / (1.0 + e2)
    w1_ref[...] = w1
    w2_ref[...] = 1.0 - w1

    sel1 = (col == i1)
    sel2 = (col == i2)
    onehot = jnp.where(sel1 | sel2, 1.0, 0.0)
    counts_ref[...] = jnp.sum(onehot, axis=0, keepdims=True)

    ri = jax.lax.broadcasted_iota(jnp.int32, (t, t), 0)
    ci = jax.lax.broadcasted_iota(jnp.int32, (t, t), 1)
    tri = jnp.where(ci < ri, 1.0, 0.0).astype(jnp.bfloat16)
    ranks = jax.lax.dot_general(
        tri, onehot.astype(jnp.bfloat16), (((1,), (0,)), ((), ())),
        preferred_element_type=jnp.float32)

    ones_col = jnp.full((t, 1), 1.0, dtype=jnp.bfloat16)
    counts_col = jax.lax.dot_general(
        onehot.astype(jnp.bfloat16), ones_col, (((0,), (0,)), ((), ())),
        preferred_element_type=jnp.float32)
    cpad_col = ((counts_col.astype(jnp.int32) + _TILE - 1)
                // _TILE * _TILE).astype(jnp.float32)

    er = jax.lax.broadcasted_iota(jnp.int32, (e, e), 0)
    ec = jax.lax.broadcasted_iota(jnp.int32, (e, e), 1)
    low = jnp.where(ec < er, 1.0, 0.0).astype(jnp.bfloat16)
    pad_off_col = jax.lax.dot_general(
        low, cpad_col.astype(jnp.bfloat16), (((1,), (0,)), ((), ())),
        preferred_element_type=jnp.float32)
    pad_end_col = pad_off_col + cpad_col

    ntiles = eot_ref.shape[1]
    tcol = (jax.lax.broadcasted_iota(jnp.int32, (e, ntiles), 1)
            * _TILE).astype(jnp.float32)
    eot = jnp.sum(jnp.where(pad_end_col <= tcol, 1.0, 0.0),
                  axis=0, keepdims=True)
    eot_ref[...] = jnp.minimum(eot, float(e - 1)).astype(jnp.int32)

    er_col = jax.lax.broadcasted_iota(jnp.int32, (e, 1), 0)
    live = jnp.sum(jnp.where(er_col == e - 1, pad_end_col, 0.0),
                   axis=0, keepdims=True)
    live_ref[...] = (live / float(_TILE)).astype(jnp.int32)

    cpad_row = ((counts_ref[...].astype(jnp.int32) + _TILE - 1)
                // _TILE * _TILE).astype(jnp.float32)
    upm = jnp.where(er < ec, 1.0, 0.0).astype(jnp.bfloat16)
    pad_off_row = jax.lax.dot_general(
        cpad_row.astype(jnp.bfloat16), upm, (((1,), (0,)), ((), ())),
        preferred_element_type=jnp.float32)
    pos = pad_off_row + ranks
    p1 = jnp.sum(jnp.where(sel1, pos, 0.0), axis=1,
                 keepdims=True).astype(jnp.int32)
    p2 = jnp.sum(jnp.where(sel2, pos, 0.0), axis=1,
                 keepdims=True).astype(jnp.int32)
    chx = jax.lax.broadcasted_iota(jnp.int32, (t, _NCHX), 1)
    px1_ref[...] = p1 * _NCHX + chx
    px2_ref[...] = p2 * _NCHX + chx
    chy = jax.lax.broadcasted_iota(jnp.int32, (t, _NCHY), 1)
    py1_ref[...] = p1 * _NCHY + chy
    py2_ref[...] = p2 * _NCHY + chy


def _routing(x, w_router, n_tiles):
    return pl.pallas_call(
        _routing_kernel,
        out_shape=(
            jax.ShapeDtypeStruct((1, _E), jnp.float32),
            jax.ShapeDtypeStruct((_T, _NCHX), jnp.int32),
            jax.ShapeDtypeStruct((_T, _NCHX), jnp.int32),
            jax.ShapeDtypeStruct((_T, _NCHY), jnp.int32),
            jax.ShapeDtypeStruct((_T, _NCHY), jnp.int32),
            jax.ShapeDtypeStruct((_T, 1), jnp.float32),
            jax.ShapeDtypeStruct((_T, 1), jnp.float32),
            jax.ShapeDtypeStruct((1, n_tiles), jnp.int32),
            jax.ShapeDtypeStruct((1, 1), jnp.int32),
        ),
    )(x, w_router)


def _vector_mesh():
    return plsc.VectorSubcoreMesh(
        core_axis_name="core", subcore_axis_name="subcore")


def _sc_dispatch(xb4, idx4):
    n_idx = idx4.shape[1]
    n_src = xb4.shape[0] // _WIN

    @pl.kernel(
        out_type=jax.ShapeDtypeStruct((_NPAD * _NCHX, _CHUNK), jnp.int32),
        mesh=_vector_mesh())
    def k(x_hbm, i_hbm, xs_hbm):
        def body(i_vmem, x_vmem):
            pltpu.sync_copy(x_vmem, xs_hbm.at[i_vmem.at[0]])

        pltpu.emit_pipeline(
            body,
            grid=(n_idx // _WIN,),
            in_specs=[
                pl.BlockSpec((1, _WIN), lambda i: (0, i)),
                pl.BlockSpec((_WIN, _CHUNK), lambda i: (i % n_src, 0)),
            ],
            out_specs=[],
            core_axis_name=("core", "subcore"),
            dimension_semantics=(pltpu.PARALLEL,),
        )(i_hbm, x_hbm)

    return k(xb4, idx4)


def _sc_combine_gather(ys4, idx4):
    n_idx = idx4.shape[1]

    @pl.kernel(
        out_type=jax.ShapeDtypeStruct((n_idx, _CHUNK), jnp.float32),
        mesh=_vector_mesh())
    def k(ys_hbm, i_hbm, g_hbm):
        def body(i_vmem, o_vmem):
            pltpu.sync_copy(ys_hbm.at[i_vmem.at[0]], o_vmem)

        pltpu.emit_pipeline(
            body,
            grid=(n_idx // _WIN,),
            in_specs=[pl.BlockSpec((1, _WIN), lambda i: (0, i))],
            out_specs=[pl.BlockSpec((_WIN, _CHUNK), lambda i: (i, 0))],
            core_axis_name=("core", "subcore"),
            dimension_semantics=(pltpu.PARALLEL,),
        )(i_hbm, g_hbm)

    return k(ys4, idx4)


def _grouped_kernel(eot_ref, live_ref, xs_ref, win_ref, wout_ref, ys_ref):
    i = pl.program_id(0)

    @pl.when(i < live_ref[0])
    def _():
        h = jax.lax.dot_general(
            xs_ref[...], win_ref[0], (((1,), (0,)), ((), ())),
            preferred_element_type=jnp.float32)
        h = h * jax.nn.sigmoid(h)
        ys_ref[...] = jax.lax.dot_general(
            h.astype(jnp.bfloat16), wout_ref[0], (((1,), (0,)), ((), ())),
            preferred_element_type=jnp.float32)


def _grouped_ffn(xs, winb, woutb, eot, live):
    grid_spec = pltpu.PrefetchScalarGridSpec(
        num_scalar_prefetch=2,
        grid=(_NTILES,),
        in_specs=[
            pl.BlockSpec((_TILE, _D), lambda i, eot, live: (i, 0)),
            pl.BlockSpec((1, _D, _H), lambda i, eot, live: (eot[i], 0, 0)),
            pl.BlockSpec((1, _H, _D), lambda i, eot, live: (eot[i], 0, 0)),
        ],
        out_specs=pl.BlockSpec((_TILE, _D), lambda i, eot, live: (i, 0)),
    )
    return pl.pallas_call(
        _grouped_kernel,
        grid_spec=grid_spec,
        out_shape=jax.ShapeDtypeStruct((_NPAD, _D), jnp.float32),
        compiler_params=pltpu.CompilerParams(
            dimension_semantics=("arbitrary",)),
    )(eot, live, xs, winb, woutb)


def _combine_kernel(g1_ref, g2_ref, w1_ref, w2_ref, o_ref):
    o_ref[...] = w1_ref[...] * g1_ref[...] + w2_ref[...] * g2_ref[...]


def _combine_add(g, w1, w2):
    n_m = _T // _TILE
    return pl.pallas_call(
        _combine_kernel,
        grid=(n_m,),
        in_specs=[
            pl.BlockSpec((_TILE, _D), lambda m: (m, 0)),
            pl.BlockSpec((_TILE, _D), lambda m: (m + n_m, 0)),
            pl.BlockSpec((_TILE, 1), lambda m: (m, 0)),
            pl.BlockSpec((_TILE, 1), lambda m: (m, 0)),
        ],
        out_specs=pl.BlockSpec((_TILE, _D), lambda m: (m, 0)),
        out_shape=jax.ShapeDtypeStruct((_T, _D), jnp.float32),
    )(g, g, w1, w2)


def kernel(x, w_router, w_in, w_out):
    counts, px1, px2, py1, py2, w1, w2, eot, live = _routing(
        x, w_router, _NTILES)

    xb = x.astype(jnp.bfloat16)
    xb4 = jax.lax.bitcast_convert_type(
        xb.reshape(_T, _D // 2, 2), jnp.int32).reshape(_T * _NCHX, _CHUNK)
    winb = w_in.astype(jnp.bfloat16)
    woutb = w_out.astype(jnp.bfloat16)

    idxx = jnp.concatenate([px1, px2], axis=0).reshape(1, 2 * _T * _NCHX)
    idxy = jnp.concatenate([py1, py2], axis=0).reshape(1, 2 * _T * _NCHY)

    xs4 = _sc_dispatch(xb4, idxx)
    xs = jax.lax.bitcast_convert_type(
        xs4.reshape(_NPAD, _D // 2), jnp.bfloat16).reshape(_NPAD, _D)
    ys = _grouped_ffn(xs, winb, woutb,
                      eot.reshape(_NTILES), live.reshape(1))
    g4 = _sc_combine_gather(ys.reshape(_NPAD * _NCHY, _CHUNK), idxy)
    out = _combine_add(g4.reshape(2 * _T, _D), w1, w2)
    return out, counts.reshape(_E)

# --- scband reference (transcript-rebuilt; emitter-appended) ---
"""Pipeline reference for scband-mo-ebase-68255620268371 (READ-ONLY COPY).

The authoritative reference and input builder live on the scoring server;
editing this copy changes nothing except your own understanding.
"""

import jax, jax.numpy as jnp
import numpy as np

D_MODEL = 1024
NUM_EXPERTS = 8
HIDDEN = 2048
TOP_K = 2
TOKENS = 2048


def setup_inputs(seed: int = 0) -> dict:
    key = jax.random.key(seed)
    k_x, k_r, k_in, k_out = jax.random.split(key, 4)
    x = jax.random.normal(k_x, (TOKENS, D_MODEL), dtype=jnp.float32)
    w_router = jax.random.normal(k_r, (D_MODEL, NUM_EXPERTS), dtype=jnp.float32) * 0.02
    w_in = jax.random.normal(k_in, (NUM_EXPERTS, D_MODEL, HIDDEN), dtype=jnp.float32) * 0.02
    w_out = jax.random.normal(k_out, (NUM_EXPERTS, HIDDEN, D_MODEL), dtype=jnp.float32) * 0.02
    return {"x": x, "w_router": w_router, "w_in": w_in, "w_out": w_out}


def reference(x, w_router, w_in, w_out):
    # Router: linear -> top-k -> softmax over selected logits (normalized expert weights)
    expert_logits = x @ w_router                         # [T, E]
    top_vals, top_idx = jax.lax.top_k(expert_logits, TOP_K)  # [T, K]
    expert_weights = jax.nn.softmax(top_vals, axis=-1)       # [T, K]

    T = x.shape[0]
    # Scatter the top-k weights into a dense [T, E] combine matrix
    combine = jnp.zeros((T, NUM_EXPERTS), dtype=x.dtype)
    combine = combine.at[jnp.arange(T)[:, None], top_idx].add(expert_weights)

    # Expert MLPs (dense dispatch reference: every expert sees every token,
    # non-selected experts are zeroed by the combine weights -> identical math)
    h = jnp.einsum('td,edh->teh', x, w_in)               # [T, E, H]
    h = jax.nn.silu(h)
    y = jnp.einsum('teh,ehd->ted', h, w_out)             # [T, E, D]
    out = jnp.einsum('te,ted->td', combine, y)           # [T, D]

    # batch_size_per_expert (tokens routed to each expert), as computed in the MoE base
    one_hot = jax.nn.one_hot(top_idx, NUM_EXPERTS, dtype=jnp.float32)  # [T, K, E]
    batch_size_per_expert = one_hot.sum(axis=(0, 1))     # [E]
    return out, batch_size_per_expert

if __name__ == "__main__":
    import jax
    _d = setup_inputs()
    print(jax.jit(kernel)(*tuple(_d.values())))

</pallas_src>

<mosaic_0001>
#map = affine_map<(d0, d1) -> (0, 0)>
module attributes {stable_mosaic.version = 14 : i64} {
  func.func @k(%arg0: i32, %arg1: i32, %arg2: memref<24576x256xf32, #tpu.memory_space<hbm>>, %arg3: memref<1x16384xi32, #tpu.memory_space<hbm>>, %arg4: memref<16384x256xf32, #tpu.memory_space<hbm>>) attributes {dimension_semantics = [#tpu.dimension_semantics<core_parallel>, #tpu.dimension_semantics<subcore_parallel>], iteration_bounds = array<i64: 2, 16>, scalar_prefetch = 0 : i64, scratch_operands = 0 : i64, tpu.core_type = #tpu.core_type<sc_vector_subcore>, window_params = [{transform_indices = #map}, {transform_indices = #map}, {transform_indices = #map}]} {
    %mul3A = arith.constant 1 : i32
    %mul3A_0 = arith.muli %arg1, %mul3A : i32
    %add3A = arith.constant 0 : i32
    %add3A_1 = arith.addi %add3A, %mul3A_0 : i32
    %mul3A_2 = arith.constant 16 : i32
    %mul3A_3 = arith.muli %arg0, %mul3A_2 : i32
    %add3A_4 = arith.addi %add3A_1, %mul3A_3 : i32
    %mul3A_5 = arith.constant 4 : i32
    %mul3A_6 = arith.muli %add3A_4, %mul3A_5 : i32
    "tpu.region"() ({
      %run_scoped3A = memref.alloca() : memref<2x1x128xi32, #tpu.memory_space<vmem>>
      %run_scoped3A_7 = tpu.sem_alloc : memref<2x!tpu.dma_semaphore, #tpu.memory_space<semaphore_mem>>
      %run_scoped3A_8 = memref.alloca() : memref<2x128x256xf32, #tpu.memory_space<vmem>>
      %run_scoped3A_9 = tpu.sem_alloc : memref<2x!tpu.dma_semaphore, #tpu.memory_space<semaphore_mem>>
      %add3A_10 = arith.constant 0 : i32
      %add3A_11 = arith.addi %add3A_10, %mul3A_6 : i32
      %select_n3A = arith.constant true
      %select_n3A_12 = arith.constant 0 : i32
      %select_n3A_13 = arith.constant -1 : i32
      %select_n3A_14 = arith.select %select_n3A, %select_n3A_13, %select_n3A_12 : i32
      %eq3A = arith.constant -1 : i32
      %eq3A_15 = arith.cmpi eq, %select_n3A_14, %eq3A : i32
      %select_n3A_16 = arith.constant 3 : i32
      %select_n3A_17 = arith.select %eq3A_15, %select_n3A_16, %select_n3A_14 : i32
      %add3A_18 = arith.addi %select_n3A_17, %mul3A_6 : i32
      %select_n3A_19 = arith.constant true
      %select_n3A_20 = arith.constant 0 : i32
      %select_n3A_21 = arith.constant 1 : i32
      %select_n3A_22 = arith.select %select_n3A_19, %select_n3A_21, %select_n3A_20 : i32
      %eq3A_23 = arith.constant 4 : i32
      %eq3A_24 = arith.cmpi eq, %select_n3A_22, %eq3A_23 : i32
      %select_n3A_25 = arith.constant 0 : i32
      %select_n3A_26 = arith.select %eq3A_24, %select_n3A_25, %select_n3A_22 : i32
      %add3A_27 = arith.addi %select_n3A_26, %mul3A_6 : i32
      %add3A_28 = arith.constant 1 : i32
      %add3A_29 = arith.addi %select_n3A_26, %add3A_28 : i32
      %select_n3A_30 = arith.constant true
      %select_n3A_31 = arith.select %select_n3A_30, %add3A_29, %select_n3A_26 : i32
      %eq3A_32 = arith.constant 4 : i32
      %eq3A_33 = arith.cmpi eq, %select_n3A_31, %eq3A_32 : i32
      %select_n3A_34 = arith.constant 0 : i32
      %select_n3A_35 = arith.select %eq3A_33, %select_n3A_34, %select_n3A_31 : i32
      %add3A_36 = arith.addi %select_n3A_35, %mul3A_6 : i32
      "tpu.trace_start"() <{level = 10 : i32, message = "ep_initialize_0"}> : () -> ()
      %rem3A = arith.constant 0 : i32
      %rem3A_37 = arith.constant 2 : i32
      %rem3A_38 = arith.remui %rem3A, %rem3A_37 : i32
      %mul3A_39 = arith.constant 128 : i32
      %mul3A_40 = arith.muli %mul3A_39, %add3A_11 : i32
      %dma_start3A = arith.constant 0 : i32
      %dma_start3A_41 = arith.constant 0 : i32
      %dma_start3A_42 = tpu.memref_slice %run_scoped3A[%rem3A_38, %dma_start3A, %dma_start3A_41] : memref<2x1x128xi32, #tpu.memory_space<vmem>> -> memref<1x1x128xi32, #tpu.memory_space<vmem>>
      %dma_start3A_43 = tpu.memref_squeeze %dma_start3A_42 : memref<1x1x128xi32, #tpu.memory_space<vmem>> -> memref<1x128xi32, #tpu.memory_space<vmem>>
      %dma_start3A_44 = arith.constant 0 : i32
      %dma_start3A_45 = tpu.memref_slice %arg3[%dma_start3A_44, %mul3A_40] : memref<1x16384xi32, #tpu.memory_space<hbm>> -> memref<1x128xi32, #tpu.memory_space<hbm>>
      %dma_start3A_46 = tpu.memref_slice %run_scoped3A_7[%rem3A_38] : memref<2x!tpu.dma_semaphore, #tpu.memory_space<semaphore_mem>> -> memref<1x!tpu.dma_semaphore, #tpu.memory_space<semaphore_mem>>
      %dma_start3A_47 = tpu.memref_squeeze %dma_start3A_46 : memref<1x!tpu.dma_semaphore, #tpu.memory_space<semaphore_mem>> -> memref<!tpu.dma_semaphore, #tpu.memory_space<semaphore_mem>>
      %dma_start3A_48 = arith.constant 0 : i32
      %dma_start3A_49 = arith.constant 0 : i32
      %dma_start3A_50 = tpu.memref_slice %run_scoped3A[%rem3A_38, %dma_start3A_48, %dma_start3A_49] : memref<2x1x128xi32, #tpu.memory_space<vmem>> -> memref<1x1x128xi32, #tpu.memory_space<vmem>>
      %dma_start3A_51 = tpu.memref_squeeze %dma_start3A_50 : memref<1x1x128xi32, #tpu.memory_space<vmem>> -> memref<1x128xi32, #tpu.memory_space<vmem>>
      %dma_start3A_52 = arith.constant 0 : i32
      %dma_start3A_53 = tpu.memref_slice %arg3[%dma_start3A_52, %mul3A_40] : memref<1x16384xi32, #tpu.memory_space<hbm>> -> memref<1x128xi32, #tpu.memory_space<hbm>>
      tpu.enqueue_dma source(%dma_start3A_53 : memref<1x128xi32, #tpu.memory_space<hbm>>) target(%dma_start3A_51 : memref<1x128xi32, #tpu.memory_space<vmem>>) target_semaphore(%dma_start3A_47 : memref<!tpu.dma_semaphore, #tpu.memory_space<semaphore_mem>>)
      %add3A_54 = arith.constant 0 : i32
      %add3A_55 = arith.constant 1 : i32
      %add3A_56 = arith.addi %add3A_54, %add3A_55 : i32
      %select_n3A_57 = arith.constant true
      %select_n3A_58 = arith.constant 0 : i32
      %select_n3A_59 = arith.select %select_n3A_57, %add3A_56, %select_n3A_58 : i32
      "tpu.trace_stop"() : () -> ()
      %scan3A = arith.constant 0 : i32
      %scan3A_60 = arith.constant 0 : i32
      %scan3A_61 = arith.constant 0 : i32
      %scan3A_62 = arith.constant 0 : i32
      %scan3A_63 = arith.constant 0 : i32
      %scan3A_64 = arith.constant 4 : i32
      %scan3A_65 = arith.addi %scan3A_63, %scan3A_64 : i32
      %scan3A_66 = arith.constant 1 : i32
      %scan3A_67:5 = scf.for %scan3A_121 = %scan3A_63 to %scan3A_65 step %scan3A_66 iter_args(%scan3A_122 = %select_n3A_59, %scan3A_123 = %scan3A, %scan3A_124 = %scan3A_60, %scan3A_125 = %scan3A_61, %scan3A_126 = %scan3A_62) -> (i32, i32, i32, i32, i32)  : i32 {
        %eq3A_127 = arith.constant 0 : i32
        %eq3A_128 = arith.cmpi eq, %scan3A_121, %eq3A_127 : i32
        %eq3A_129 = arith.constant 3 : i32
        %eq3A_130 = arith.cmpi eq, %scan3A_121, %eq3A_129 : i32
        %add3A_131 = arith.addi %scan3A_126, %mul3A_6 : i32
        %sub3A_132 = arith.constant 1 : i32
        %sub3A_133 = arith.subi %scan3A_126, %sub3A_132 : i32
        %select_n3A_134 = arith.constant true
        %select_n3A_135 = arith.select %select_n3A_134, %sub3A_133, %scan3A_126 : i32
        %eq3A_136 = arith.constant -1 : i32
        %eq3A_137 = arith.cmpi eq, %select_n3A_135, %eq3A_136 : i32
        %select_n3A_138 = arith.constant 3 : i32
        %select_n3A_139 = arith.select %eq3A_137, %select_n3A_138, %select_n3A_135 : i32
        %add3A_140 = arith.addi %select_n3A_139, %mul3A_6 : i32
        %add3A_141 = arith.constant 1 : i32
        %add3A_142 = arith.addi %scan3A_126, %add3A_141 : i32
        %select_n3A_143 = arith.constant true
        %select_n3A_144 = arith.select %select_n3A_143, %add3A_142, %scan3A_126 : i32
        %eq3A_145 = arith.constant 4 : i32
        %eq3A_146 = arith.cmpi eq, %select_n3A_144, %eq3A_145 : i32
        %select_n3A_147 = arith.constant 0 : i32
        %select_n3A_148 = arith.select %eq3A_146, %select_n3A_147, %select_n3A_144 : i32
        %add3A_149 = arith.addi %select_n3A_148, %mul3A_6 : i32
        %add3A_150 = arith.constant 1 : i32
        %add3A_151 = arith.addi %select_n3A_148, %add3A_150 : i32
        %select_n3A_152 = arith.constant true
        %select_n3A_153 = arith.select %select_n3A_152, %add3A_151, %select_n3A_148 : i32
        %eq3A_154 = arith.constant 4 : i32
        %eq3A_155 = arith.cmpi eq, %select_n3A_153, %eq3A_154 : i32
        %select_n3A_156 = arith.constant 0 : i32
        %select_n3A_157 = arith.select %eq3A_155, %select_n3A_156, %select_n3A_153 : i32
        %add3A_158 = arith.addi %select_n3A_157, %mul3A_6 : i32
        %ne3A = arith.cmpi ne, %add3A_131, %add3A_149 : i32
        %or3A = arith.constant false
        %or3A_159 = arith.ori %or3A, %ne3A : i1
        %ge3A = arith.constant 3 : i32
        %ge3A_160 = arith.cmpi sge, %scan3A_121, %ge3A : i32
        %not3A = arith.constant true
        %not3A_161 = arith.xori %ge3A_160, %not3A : i1
        %and3A = arith.andi %or3A_159, %not3A_161 : i1
        %convert_element_type3A = arith.extui %and3A : i1 to i32
        %cond3A = arith.constant 0 : i32
        %cond3A_162 = arith.cmpi ne, %convert_element_type3A, %cond3A : i32
        scf.if %cond3A_162 {
          "tpu.trace_start"() <{level = 10 : i32, message = "ep_copy_in"}> : () -> ()
          %rem3A_264 = arith.constant 2 : i32
          %rem3A_265 = arith.remui %scan3A_122, %rem3A_264 : i32
          %mul3A_266 = arith.constant 128 : i32
          %mul3A_267 = arith.muli %mul3A_266, %add3A_149 : i32
          %dma_start3A_268 = arith.constant 0 : i32
          %dma_start3A_269 = arith.constant 0 : i32
          %dma_start3A_270 = tpu.memref_slice %run_scoped3A[%rem3A_265, %dma_start3A_268, %dma_start3A_269] : memref<2x1x128xi32, #tpu.memory_space<vmem>> -> memref<1x1x128xi32, #tpu.memory_space<vmem>>
          %dma_start3A_271 = tpu.memref_squeeze %dma_start3A_270 : memref<1x1x128xi32, #tpu.memory_space<vmem>> -> memref<1x128xi32, #tpu.memory_space<vmem>>
          %dma_start3A_272 = arith.constant 0 : i32
          %dma_start3A_273 = tpu.memref_slice %arg3[%dma_start3A_272, %mul3A_267] : memref<1x16384xi32, #tpu.memory_space<hbm>> -> memref<1x128xi32, #tpu.memory_space<hbm>>
          %dma_start3A_274 = tpu.memref_slice %run_scoped3A_7[%rem3A_265] : memref<2x!tpu.dma_semaphore, #tpu.memory_space<semaphore_mem>> -> memref<1x!tpu.dma_semaphore, #tpu.memory_space<semaphore_mem>>
          %dma_start3A_275 = tpu.memref_squeeze %dma_start3A_274 : memref<1x!tpu.dma_semaphore, #tpu.memory_space<semaphore_mem>> -> memref<!tpu.dma_semaphore, #tpu.memory_space<semaphore_mem>>
          %dma_start3A_276 = arith.constant 0 : i32
          %dma_start3A_277 = arith.constant 0 : i32
          %dma_start3A_278 = tpu.memref_slice %run_scoped3A[%rem3A_265, %dma_start3A_276, %dma_start3A_277] : memref<2x1x128xi32, #tpu.memory_space<vmem>> -> memref<1x1x128xi32, #tpu.memory_space<vmem>>
          %dma_start3A_279 = tpu.memref_squeeze %dma_start3A_278 : memref<1x1x128xi32, #tpu.memory_space<vmem>> -> memref<1x128xi32, #tpu.memory_space<vmem>>
          %dma_start3A_280 = arith.constant 0 : i32
          %dma_start3A_281 = tpu.memref_slice %arg3[%dma_start3A_280, %mul3A_267] : memref<1x16384xi32, #tpu.memory_space<hbm>> -> memref<1x128xi32, #tpu.memory_space<hbm>>
          tpu.enqueue_dma source(%dma_start3A_281 : memref<1x128xi32, #tpu.memory_space<hbm>>) target(%dma_start3A_279 : memref<1x128xi32, #tpu.memory_space<vmem>>) target_semaphore(%dma_start3A_275 : memref<!tpu.dma_semaphore, #tpu.memory_space<semaphore_mem>>)
          "tpu.trace_stop"() : () -> ()
        } else {
        }
        %and3A_163 = arith.constant true
        %and3A_164 = arith.andi %and3A, %and3A_163 : i1
        %add3A_165 = arith.constant 1 : i32
        %add3A_166 = arith.addi %scan3A_122, %add3A_165 : i32
        %select_n3A_167 = arith.select %and3A_164, %add3A_166, %scan3A_122 : i32
        %ne3A_168 = arith.cmpi ne, %add3A_131, %add3A_149 : i32
        %or3A_169 = arith.constant false
        %or3A_170 = arith.ori %or3A_169, %ne3A_168 : i1
        %or3A_171 = arith.constant false
        %or3A_172 = arith.ori %or3A_170, %or3A_171 : i1
        %ge3A_173 = arith.constant 3 : i32
        %ge3A_174 = arith.cmpi sge, %scan3A_121, %ge3A_173 : i32
        %not3A_175 = arith.constant true
        %not3A_176 = arith.xori %ge3A_174, %not3A_175 : i1
        %and3A_177 = arith.andi %or3A_172, %not3A_176 : i1
        %ne3A_178 = arith.cmpi ne, %add3A_131, %add3A_140 : i32
        %or3A_179 = arith.constant false
        %or3A_180 = arith.ori %or3A_179, %ne3A_178 : i1
        %or3A_181 = arith.ori %or3A_180, %eq3A_128 : i1
        %convert_element_type3A_182 = arith.extui %or3A_181 : i1 to i32
        %cond3A_183 = arith.constant 0 : i32
        %cond3A_184 = arith.cmpi ne, %convert_element_type3A_182, %cond3A_183 : i32
        scf.if %cond3A_184 {
          "tpu.trace_start"() <{level = 10 : i32, message = "ep_wait_in"}> : () -> ()
          %mul3A_264 = arith.constant 128 : i32
          %mul3A_265 = arith.muli %mul3A_264, %add3A_131 : i32
          %rem3A_266 = arith.constant 2 : i32
          %rem3A_267 = arith.remui %scan3A_123, %rem3A_266 : i32
          %dma_wait3A_268 = arith.constant 0 : i32
          %dma_wait3A_269 = arith.constant 0 : i32
          %dma_wait3A_270 = tpu.memref_slice %run_scoped3A[%rem3A_267, %dma_wait3A_268, %dma_wait3A_269] : memref<2x1x128xi32, #tpu.memory_space<vmem>> -> memref<1x1x128xi32, #tpu.memory_space<vmem>>
          %dma_wait3A_271 = tpu.memref_squeeze %dma_wait3A_270 : memref<1x1x128xi32, #tpu.memory_space<vmem>> -> memref<1x128xi32, #tpu.memory_space<vmem>>
          %dma_wait3A_272 = arith.constant 0 : i32
          %dma_wait3A_273 = tpu.memref_slice %arg3[%dma_wait3A_272, %mul3A_265] : memref<1x16384xi32, #tpu.memory_space<hbm>> -> memref<1x128xi32, #tpu.memory_space<hbm>>
          %dma_wait3A_274 = tpu.memref_slice %run_scoped3A_7[%rem3A_267] : memref<2x!tpu.dma_semaphore, #tpu.memory_space<semaphore_mem>> -> memref<1x!tpu.dma_semaphore, #tpu.memory_space<semaphore_mem>>
          %dma_wait3A_275 = tpu.memref_squeeze %dma_wait3A_274 : memref<1x!tpu.dma_semaphore, #tpu.memory_space<semaphore_mem>> -> memref<!tpu.dma_semaphore, #tpu.memory_space<semaphore_mem>>
          %dma_wait3A_276 = arith.constant 0 : i32
          %dma_wait3A_277 = arith.constant 0 : i32
          %dma_wait3A_278 = tpu.memref_slice %run_scoped3A[%rem3A_267, %dma_wait3A_276, %dma_wait3A_277] : memref<2x1x128xi32, #tpu.memory_space<vmem>> -> memref<1x1x128xi32, #tpu.memory_space<vmem>>
          %dma_wait3A_279 = tpu.memref_squeeze %dma_wait3A_278 : memref<1x1x128xi32, #tpu.memory_space<vmem>> -> memref<1x128xi32, #tpu.memory_space<vmem>>
          %dma_wait3A_280 = arith.constant 0 : i32
          %dma_wait3A_281 = tpu.memref_slice %arg3[%dma_wait3A_280, %mul3A_265] : memref<1x16384xi32, #tpu.memory_space<hbm>> -> memref<1x128xi32, #tpu.memory_space<hbm>>
          tpu.wait_dma2 semaphore(%dma_wait3A_275 : memref<!tpu.dma_semaphore, #tpu.memory_space<semaphore_mem>>) src(%dma_wait3A_281 : memref<1x128xi32, #tpu.memory_space<hbm>>) dst(%dma_wait3A_279 : memref<1x128xi32, #tpu.memory_space<vmem>>)
          "tpu.trace_stop"() : () -> ()
        } else {
        }
        %ne3A_185 = arith.cmpi ne, %add3A_131, %add3A_140 : i32
        %or3A_186 = arith.constant false
        %or3A_187 = arith.ori %or3A_186, %ne3A_185 : i1
        %or3A_188 = arith.constant false
        %or3A_189 = arith.ori %or3A_187, %or3A_188 : i1
        %or3A_190 = arith.ori %or3A_189, %eq3A_128 : i1
        %convert_element_type3A_191 = arith.extui %or3A_190 : i1 to i32
        %cond3A_192 = arith.constant 0 : i32
        %cond3A_193 = arith.cmpi ne, %convert_element_type3A_191, %cond3A_192 : i32
        scf.if %cond3A_193 {
        } else {
        }
        %rem3A_194 = arith.constant 2 : i32
        %rem3A_195 = arith.remui %scan3A_123, %rem3A_194 : i32
        %rem3A_196 = arith.constant 2 : i32
        %rem3A_197 = arith.remui %scan3A_124, %rem3A_196 : i32
        %run_scoped3A_198 = arith.constant 0 : i32
        "tpu.trace_start"() <{level = 10 : i32, message = "ep_run_kernel"}> : () -> ()
        "tpu.region"() ({
          %run_scoped3A_264 = tpu.sem_alloc : memref<!tpu.dma_semaphore, #tpu.memory_space<semaphore_mem>>
          %dma_start3A_265 = arith.constant 0 : i32
          %dma_start3A_266 = arith.constant 0 : i32
          %dma_start3A_267 = tpu.memref_slice %run_scoped3A_8[%rem3A_197, %dma_start3A_265, %dma_start3A_266] : memref<2x128x256xf32, #tpu.memory_space<vmem>> -> memref<1x128x256xf32, #tpu.memory_space<vmem>>
          %dma_start3A_268 = tpu.memref_squeeze %dma_start3A_267 : memref<1x128x256xf32, #tpu.memory_space<vmem>> -> memref<128x256xf32, #tpu.memory_space<vmem>>
          %dma_start3A_269 = arith.constant 0 : i32
          %dma_start3A_270 = arith.constant 0 : i32
          %dma_start3A_271 = tpu.memref_slice %run_scoped3A[%rem3A_195, %dma_start3A_269, %dma_start3A_270] : memref<2x1x128xi32, #tpu.memory_space<vmem>> -> memref<1x1x128xi32, #tpu.memory_space<vmem>>
          %dma_start3A_272 = tpu.memref_squeeze %dma_start3A_271 : memref<1x1x128xi32, #tpu.memory_space<vmem>> -> memref<1x128xi32, #tpu.memory_space<vmem>>
          %dma_start3A_273 = arith.constant 0 : i32
          %dma_start3A_274 = tpu.memref_slice %dma_start3A_272[%run_scoped3A_198, %dma_start3A_273] : memref<1x128xi32, #tpu.memory_space<vmem>> -> memref<1x128xi32, #tpu.memory_space<vmem>>
          %dma_start3A_275 = tpu.memref_squeeze %dma_start3A_274 : memref<1x128xi32, #tpu.memory_space<vmem>> -> memref<128xi32, #tpu.memory_space<vmem>>
          %dma_start3A_276 = arith.constant 0 : i32
          %dma_start3A_277 = arith.constant 0 : i32
          %dma_start3A_278 = tpu.memref_slice %arg2[%dma_start3A_276, %dma_start3A_277] : memref<24576x256xf32, #tpu.memory_space<hbm>> -> memref<24576x256xf32, #tpu.memory_space<hbm>>
          tpu.enqueue_indirect_dma source(%dma_start3A_278 : memref<24576x256xf32, #tpu.memory_space<hbm>>) target(%dma_start3A_268 : memref<128x256xf32, #tpu.memory_space<vmem>>) offsets(%dma_start3A_275 : memref<128xi32, #tpu.memory_space<vmem>>) semaphore(%run_scoped3A_264 : memref<!tpu.dma_semaphore, #tpu.memory_space<semaphore_mem>>)
          %dma_wait3A_279 = arith.constant 0 : i32
          %dma_wait3A_280 = arith.constant 0 : i32
          %dma_wait3A_281 = tpu.memref_slice %run_scoped3A_8[%rem3A_197, %dma_wait3A_279, %dma_wait3A_280] : memref<2x128x256xf32, #tpu.memory_space<vmem>> -> memref<1x128x256xf32, #tpu.memory_space<vmem>>
          %dma_wait3A_282 = tpu.memref_squeeze %dma_wait3A_281 : memref<1x128x256xf32, #tpu.memory_space<vmem>> -> memref<128x256xf32, #tpu.memory_space<vmem>>
          %dma_wait3A_283 = arith.constant 0 : i32
          %dma_wait3A_284 = arith.constant 0 : i32
          %dma_wait3A_285 = tpu.memref_slice %run_scoped3A[%rem3A_195, %dma_wait3A_283, %dma_wait3A_284] : memref<2x1x128xi32, #tpu.memory_space<vmem>> -> memref<1x1x128xi32, #tpu.memory_space<vmem>>
          %dma_wait3A_286 = tpu.memref_squeeze %dma_wait3A_285 : memref<1x1x128xi32, #tpu.memory_space<vmem>> -> memref<1x128xi32, #tpu.memory_space<vmem>>
          %dma_wait3A_287 = arith.constant 0 : i32
          %dma_wait3A_288 = tpu.memref_slice %dma_wait3A_286[%run_scoped3A_198, %dma_wait3A_287] : memref<1x128xi32, #tpu.memory_space<vmem>> -> memref<1x128xi32, #tpu.memory_space<vmem>>
          %dma_wait3A_289 = tpu.memref_squeeze %dma_wait3A_288 : memref<1x128xi32, #tpu.memory_space<vmem>> -> memref<128xi32, #tpu.memory_space<vmem>>
          %dma_wait3A_290 = arith.constant 0 : i32
          %dma_wait3A_291 = arith.constant 0 : i32
          %dma_wait3A_292 = tpu.memref_slice %arg2[%dma_wait3A_290, %dma_wait3A_291] : memref<24576x256xf32, #tpu.memory_space<hbm>> -> memref<24576x256xf32, #tpu.memory_space<hbm>>
          tpu.wait_indirect_dma semaphore(%run_scoped3A_264 : memref<!tpu.dma_semaphore, #tpu.memory_space<semaphore_mem>>) src(%dma_wait3A_292 : memref<24576x256xf32, #tpu.memory_space<hbm>>) dst(%dma_wait3A_282 : memref<128x256xf32, #tpu.memory_space<vmem>>)
          tpu.yield
        }) : () -> ()
        "tpu.trace_stop"() : () -> ()
        %ne3A_199 = arith.cmpi ne, %add3A_131, %add3A_149 : i32
        %or3A_200 = arith.constant false
        %or3A_201 = arith.ori %or3A_200, %ne3A_199 : i1
        %or3A_202 = arith.ori %or3A_201, %eq3A_130 : i1
        %convert_element_type3A_203 = arith.extui %or3A_202 : i1 to i32
        %cond3A_204 = arith.constant 0 : i32
        %cond3A_205 = arith.cmpi ne, %convert_element_type3A_203, %cond3A_204 : i32
        scf.if %cond3A_205 {
        } else {
        }
        %and3A_206 = arith.constant false
        %and3A_207 = arith.andi %or3A_202, %and3A_206 : i1
        %ne3A_208 = arith.cmpi ne, %add3A_131, %add3A_149 : i32
        %or3A_209 = arith.constant false
        %or3A_210 = arith.ori %or3A_209, %ne3A_208 : i1
        %or3A_211 = arith.constant false
        %or3A_212 = arith.ori %or3A_210, %or3A_211 : i1
        %or3A_213 = arith.ori %or3A_212, %eq3A_130 : i1
        %convert_element_type3A_214 = arith.extui %or3A_213 : i1 to i32
        %cond3A_215 = arith.constant 0 : i32
        %cond3A_216 = arith.cmpi ne, %convert_element_type3A_214, %cond3A_215 : i32
        scf.if %cond3A_216 {
          "tpu.trace_start"() <{level = 10 : i32, message = "ep_copy_out"}> : () -> ()
          %rem3A_264 = arith.constant 2 : i32
          %rem3A_265 = arith.remui %scan3A_124, %rem3A_264 : i32
          %mul3A_266 = arith.constant 128 : i32
          %mul3A_267 = arith.muli %mul3A_266, %add3A_131 : i32
          %dma_start3A_268 = arith.constant 0 : i32
          %dma_start3A_269 = arith.constant 0 : i32
          %dma_start3A_270 = tpu.memref_slice %run_scoped3A_8[%rem3A_265, %dma_start3A_268, %dma_start3A_269] : memref<2x128x256xf32, #tpu.memory_space<vmem>> -> memref<1x128x256xf32, #tpu.memory_space<vmem>>
          %dma_start3A_271 = tpu.memref_squeeze %dma_start3A_270 : memref<1x128x256xf32, #tpu.memory_space<vmem>> -> memref<128x256xf32, #tpu.memory_space<vmem>>
          %dma_start3A_272 = arith.constant 0 : i32
          %dma_start3A_273 = tpu.memref_slice %arg4[%mul3A_267, %dma_start3A_272] : memref<16384x256xf32, #tpu.memory_space<hbm>> -> memref<128x256xf32, #tpu.memory_space<hbm>>
          %dma_start3A_274 = tpu.memref_slice %run_scoped3A_9[%rem3A_265] : memref<2x!tpu.dma_semaphore, #tpu.memory_space<semaphore_mem>> -> memref<1x!tpu.dma_semaphore, #tpu.memory_space<semaphore_mem>>
          %dma_start3A_275 = tpu.memref_squeeze %dma_start3A_274 : memref<1x!tpu.dma_semaphore, #tpu.memory_space<semaphore_mem>> -> memref<!tpu.dma_semaphore, #tpu.memory_space<semaphore_mem>>
          %dma_start3A_276 = arith.constant 0 : i32
          %dma_start3A_277 = tpu.memref_slice %arg4[%mul3A_267, %dma_start3A_276] : memref<16384x256xf32, #tpu.memory_space<hbm>> -> memref<128x256xf32, #tpu.memory_space<hbm>>
          %dma_start3A_278 = arith.constant 0 : i32
          %dma_start3A_279 = arith.constant 0 : i32
          %dma_start3A_280 = tpu.memref_slice %run_scoped3A_8[%rem3A_265, %dma_start3A_278, %dma_start3A_279] : memref<2x128x256xf32, #tpu.memory_space<vmem>> -> memref<1x128x256xf32, #tpu.memory_space<vmem>>
          %dma_start3A_281 = tpu.memref_squeeze %dma_start3A_280 : memref<1x128x256xf32, #tpu.memory_space<vmem>> -> memref<128x256xf32, #tpu.memory_space<vmem>>
          tpu.enqueue_dma source(%dma_start3A_281 : memref<128x256xf32, #tpu.memory_space<vmem>>) target(%dma_start3A_277 : memref<128x256xf32, #tpu.memory_space<hbm>>) target_semaphore(%dma_start3A_275 : memref<!tpu.dma_semaphore, #tpu.memory_space<semaphore_mem>>)
          "tpu.trace_stop"() : () -> ()
        } else {
        }
        %and3A_217 = arith.constant true
        %and3A_218 = arith.andi %or3A_213, %and3A_217 : i1
        %add3A_219 = arith.constant 1 : i32
        %add3A_220 = arith.addi %scan3A_124, %add3A_219 : i32
        %select_n3A_221 = arith.select %and3A_218, %add3A_220, %scan3A_124 : i32
        %ne3A_222 = arith.cmpi ne, %add3A_131, %add3A_140 : i32
        %or3A_223 = arith.constant false
        %or3A_224 = arith.ori %or3A_223, %ne3A_222 : i1
        %not3A_225 = arith.constant true
        %not3A_226 = arith.xori %eq3A_128, %not3A_225 : i1
        %and3A_227 = arith.andi %or3A_224, %not3A_226 : i1
        %convert_element_type3A_228 = arith.extui %and3A_227 : i1 to i32
        %cond3A_229 = arith.constant 0 : i32
        %cond3A_230 = arith.cmpi ne, %convert_element_type3A_228, %cond3A_229 : i32
        scf.if %cond3A_230 {
        } else {
        }
        %and3A_231 = arith.constant false
        %and3A_232 = arith.andi %and3A_227, %and3A_231 : i1
        %ne3A_233 = arith.cmpi ne, %add3A_131, %add3A_140 : i32
        %or3A_234 = arith.constant false
        %or3A_235 = arith.ori %or3A_234, %ne3A_233 : i1
        %or3A_236 = arith.constant false
        %or3A_237 = arith.ori %or3A_235, %or3A_236 : i1
        %not3A_238 = arith.constant true
        %not3A_239 = arith.xori %eq3A_128, %not3A_238 : i1
        %and3A_240 = arith.andi %or3A_237, %not3A_239 : i1
        %convert_element_type3A_241 = arith.extui %and3A_240 : i1 to i32
        %cond3A_242 = arith.constant 0 : i32
        %cond3A_243 = arith.cmpi ne, %convert_element_type3A_241, %cond3A_242 : i32
        scf.if %cond3A_243 {
          "tpu.trace_start"() <{level = 10 : i32, message = "ep_wait_out"}> : () -> ()
          %rem3A_264 = arith.constant 2 : i32
          %rem3A_265 = arith.remui %scan3A_125, %rem3A_264 : i32
          %mul3A_266 = arith.constant 128 : i32
          %mul3A_267 = arith.muli %mul3A_266, %add3A_140 : i32
          %dma_wait3A_268 = arith.constant 0 : i32
          %dma_wait3A_269 = arith.constant 0 : i32
          %dma_wait3A_270 = tpu.memref_slice %run_scoped3A_8[%rem3A_265, %dma_wait3A_268, %dma_wait3A_269] : memref<2x128x256xf32, #tpu.memory_space<vmem>> -> memref<1x128x256xf32, #tpu.memory_space<vmem>>
          %dma_wait3A_271 = tpu.memref_squeeze %dma_wait3A_270 : memref<1x128x256xf32, #tpu.memory_space<vmem>> -> memref<128x256xf32, #tpu.memory_space<vmem>>
          %dma_wait3A_272 = arith.constant 0 : i32
          %dma_wait3A_273 = tpu.memref_slice %arg4[%mul3A_267, %dma_wait3A_272] : memref<16384x256xf32, #tpu.memory_space<hbm>> -> memref<128x256xf32, #tpu.memory_space<hbm>>
          %dma_wait3A_274 = tpu.memref_slice %run_scoped3A_9[%rem3A_265] : memref<2x!tpu.dma_semaphore, #tpu.memory_space<semaphore_mem>> -> memref<1x!tpu.dma_semaphore, #tpu.memory_space<semaphore_mem>>
          %dma_wait3A_275 = tpu.memref_squeeze %dma_wait3A_274 : memref<1x!tpu.dma_semaphore, #tpu.memory_space<semaphore_mem>> -> memref<!tpu.dma_semaphore, #tpu.memory_space<semaphore_mem>>
          %dma_wait3A_276 = arith.constant 0 : i32
          %dma_wait3A_277 = tpu.memref_slice %arg4[%mul3A_267, %dma_wait3A_276] : memref<16384x256xf32, #tpu.memory_space<hbm>> -> memref<128x256xf32, #tpu.memory_space<hbm>>
          %dma_wait3A_278 = arith.constant 0 : i32
          %dma_wait3A_279 = arith.constant 0 : i32
          %dma_wait3A_280 = tpu.memref_slice %run_scoped3A_8[%rem3A_265, %dma_wait3A_278, %dma_wait3A_279] : memref<2x128x256xf32, #tpu.memory_space<vmem>> -> memref<1x128x256xf32, #tpu.memory_space<vmem>>
          %dma_wait3A_281 = tpu.memref_squeeze %dma_wait3A_280 : memref<1x128x256xf32, #tpu.memory_space<vmem>> -> memref<128x256xf32, #tpu.memory_space<vmem>>
          tpu.wait_dma2 semaphore(%dma_wait3A_275 : memref<!tpu.dma_semaphore, #tpu.memory_space<semaphore_mem>>) src(%dma_wait3A_281 : memref<128x256xf32, #tpu.memory_space<vmem>>) dst(%dma_wait3A_277 : memref<128x256xf32, #tpu.memory_space<hbm>>)
          "tpu.trace_stop"() : () -> ()
        } else {
        }
        %and3A_244 = arith.constant true
        %and3A_245 = arith.andi %and3A_240, %and3A_244 : i1
        %add3A_246 = arith.constant 1 : i32
        %add3A_247 = arith.addi %scan3A_125, %add3A_246 : i32
        %select_n3A_248 = arith.select %and3A_245, %add3A_247, %scan3A_125 : i32
        %ne3A_249 = arith.cmpi ne, %add3A_131, %add3A_149 : i32
        %or3A_250 = arith.constant false
        %or3A_251 = arith.ori %or3A_250, %ne3A_249 : i1
        %or3A_252 = arith.ori %or3A_251, %eq3A_130 : i1
        %add3A_253 = arith.constant 1 : i32
        %add3A_254 = arith.addi %scan3A_123, %add3A_253 : i32
        %select_n3A_255 = arith.select %or3A_252, %add3A_254, %scan3A_123 : i32
        %add3A_256 = arith.constant 1 : i32
        %add3A_257 = arith.addi %scan3A_126, %add3A_256 : i32
        %select_n3A_258 = arith.constant true
        %select_n3A_259 = arith.select %select_n3A_258, %add3A_257, %scan3A_126 : i32
        %eq3A_260 = arith.constant 4 : i32
        %eq3A_261 = arith.cmpi eq, %select_n3A_259, %eq3A_260 : i32
        %select_n3A_262 = arith.constant 0 : i32
        %select_n3A_263 = arith.select %eq3A_261, %select_n3A_262, %select_n3A_259 : i32
        scf.yield %select_n3A_167, %select_n3A_255, %select_n3A_221, %select_n3A_248, %select_n3A_263 : i32, i32, i32, i32, i32
      }
      %scan3A_68 = arith.constant 4 : i32
      %sub3A = arith.constant 1 : i32
      %sub3A_69 = arith.subi %scan3A_67#4, %sub3A : i32
      %select_n3A_70 = arith.constant true
      %select_n3A_71 = arith.select %select_n3A_70, %sub3A_69, %scan3A_67#4 : i32
      %eq3A_72 = arith.constant -1 : i32
      %eq3A_73 = arith.cmpi eq, %select_n3A_71, %eq3A_72 : i32
      %select_n3A_74 = arith.constant 3 : i32
      %select_n3A_75 = arith.select %eq3A_73, %select_n3A_74, %select_n3A_71 : i32
      %add3A_76 = arith.addi %select_n3A_75, %mul3A_6 : i32
      %sub3A_77 = arith.constant 1 : i32
      %sub3A_78 = arith.subi %select_n3A_75, %sub3A_77 : i32
      %select_n3A_79 = arith.constant true
      %select_n3A_80 = arith.select %select_n3A_79, %sub3A_78, %select_n3A_75 : i32
      %eq3A_81 = arith.constant -1 : i32
      %eq3A_82 = arith.cmpi eq, %select_n3A_80, %eq3A_81 : i32
      %select_n3A_83 = arith.constant 3 : i32
      %select_n3A_84 = arith.select %eq3A_82, %select_n3A_83, %select_n3A_80 : i32
      %add3A_85 = arith.addi %select_n3A_84, %mul3A_6 : i32
      %add3A_86 = arith.constant 1 : i32
      %add3A_87 = arith.addi %select_n3A_75, %add3A_86 : i32
      %select_n3A_88 = arith.constant true
      %select_n3A_89 = arith.select %select_n3A_88, %add3A_87, %select_n3A_75 : i32
      %eq3A_90 = arith.constant 4 : i32
      %eq3A_91 = arith.cmpi eq, %select_n3A_89, %eq3A_90 : i32
      %select_n3A_92 = arith.constant 0 : i32
      %select_n3A_93 = arith.select %eq3A_91, %select_n3A_92, %select_n3A_89 : i32
      %add3A_94 = arith.addi %select_n3A_93, %mul3A_6 : i32
      %add3A_95 = arith.constant 1 : i32
      %add3A_96 = arith.addi %select_n3A_93, %add3A_95 : i32
      %select_n3A_97 = arith.constant true
      %select_n3A_98 = arith.select %select_n3A_97, %add3A_96, %select_n3A_93 : i32
      %eq3A_99 = arith.constant 4 : i32
      %eq3A_100 = arith.cmpi eq, %select_n3A_98, %eq3A_99 : i32
      %select_n3A_101 = arith.constant 0 : i32
      %select_n3A_102 = arith.select %eq3A_100, %select_n3A_101, %select_n3A_98 : i32
      %add3A_103 = arith.addi %select_n3A_102, %mul3A_6 : i32
      "tpu.trace_start"() <{level = 10 : i32, message = "ep_finalize"}> : () -> ()
      %rem3A_104 = arith.constant 2 : i32
      %rem3A_105 = arith.remui %scan3A_67#3, %rem3A_104 : i32
      %mul3A_106 = arith.constant 128 : i32
      %mul3A_107 = arith.muli %mul3A_106, %add3A_76 : i32
      %dma_wait3A = arith.constant 0 : i32
      %dma_wait3A_108 = arith.constant 0 : i32
      %dma_wait3A_109 = tpu.memref_slice %run_scoped3A_8[%rem3A_105, %dma_wait3A, %dma_wait3A_108] : memref<2x128x256xf32, #tpu.memory_space<vmem>> -> memref<1x128x256xf32, #tpu.memory_space<vmem>>
      %dma_wait3A_110 = tpu.memref_squeeze %dma_wait3A_109 : memref<1x128x256xf32, #tpu.memory_space<vmem>> -> memref<128x256xf32, #tpu.memory_space<vmem>>
      %dma_wait3A_111 = arith.constant 0 : i32
      %dma_wait3A_112 = tpu.memref_slice %arg4[%mul3A_107, %dma_wait3A_111] : memref<16384x256xf32, #tpu.memory_space<hbm>> -> memref<128x256xf32, #tpu.memory_space<hbm>>
      %dma_wait3A_113 = tpu.memref_slice %run_scoped3A_9[%rem3A_105] : memref<2x!tpu.dma_semaphore, #tpu.memory_space<semaphore_mem>> -> memref<1x!tpu.dma_semaphore, #tpu.memory_space<semaphore_mem>>
      %dma_wait3A_114 = tpu.memref_squeeze %dma_wait3A_113 : memref<1x!tpu.dma_semaphore, #tpu.memory_space<semaphore_mem>> -> memref<!tpu.dma_semaphore, #tpu.memory_space<semaphore_mem>>
      %dma_wait3A_115 = arith.constant 0 : i32
      %dma_wait3A_116 = tpu.memref_slice %arg4[%mul3A_107, %dma_wait3A_115] : memref<16384x256xf32, #tpu.memory_space<hbm>> -> memref<128x256xf32, #tpu.memory_space<hbm>>
      %dma_wait3A_117 = arith.constant 0 : i32
      %dma_wait3A_118 = arith.constant 0 : i32
      %dma_wait3A_119 = tpu.memref_slice %run_scoped3A_8[%rem3A_105, %dma_wait3A_117, %dma_wait3A_118] : memref<2x128x256xf32, #tpu.memory_space<vmem>> -> memref<1x128x256xf32, #tpu.memory_space<vmem>>
      %dma_wait3A_120 = tpu.memref_squeeze %dma_wait3A_119 : memref<1x128x256xf32, #tpu.memory_space<vmem>> -> memref<128x256xf32, #tpu.memory_space<vmem>>
      tpu.wait_dma2 semaphore(%dma_wait3A_114 : memref<!tpu.dma_semaphore, #tpu.memory_space<semaphore_mem>>) src(%dma_wait3A_120 : memref<128x256xf32, #tpu.memory_space<vmem>>) dst(%dma_wait3A_116 : memref<128x256xf32, #tpu.memory_space<hbm>>)
      "tpu.trace_stop"() : () -> ()
      tpu.yield
    }) : () -> ()
    return
  }
}

#map = affine_map<(d0, d1) -> (0, 0)>
module attributes {stable_mosaic.version = 14 : i64} {
  func.func @k(%arg0: i32, %arg1: i32, %arg2: memref<4096x256xi32, #tpu.memory_space<hbm>>, %arg3: memref<1x8192xi32, #tpu.memory_space<hbm>>, %arg4: memref<12288x256xi32, #tpu.memory_space<hbm>>) attributes {dimension_semantics = [#tpu.dimension_semantics<core_parallel>, #tpu.dimension_semantics<subcore_parallel>], iteration_bounds = array<i64: 2, 16>, scalar_prefetch = 0 : i64, scratch_operands = 0 : i64, tpu.core_type = #tpu.core_type<sc_vector_subcore>, window_params = [{transform_indices = #map}, {transform_indices = #map}, {transform_indices = #map}]} {
    %mul3A = arith.constant 1 : i32
    %mul3A_0 = arith.muli %arg1, %mul3A : i32
    %add3A = arith.constant 0 : i32
    %add3A_1 = arith.addi %add3A, %mul3A_0 : i32
    %mul3A_2 = arith.constant 16 : i32
    %mul3A_3 = arith.muli %arg0, %mul3A_2 : i32
    %add3A_4 = arith.addi %add3A_1, %mul3A_3 : i32
    %mul3A_5 = arith.constant 2 : i32
    %mul3A_6 = arith.muli %add3A_4, %mul3A_5 : i32
    "tpu.region"() ({
      %run_scoped3A = memref.alloca() : memref<2x1x128xi32, #tpu.memory_space<vmem>>
      %run_scoped3A_7 = tpu.sem_alloc : memref<2x!tpu.dma_semaphore, #tpu.memory_space<semaphore_mem>>
      %run_scoped3A_8 = memref.alloca() : memref<2x128x256xi32, #tpu.memory_space<vmem>>
      %run_scoped3A_9 = tpu.sem_alloc : memref<2x!tpu.dma_semaphore, #tpu.memory_space<semaphore_mem>>
      %add3A_10 = arith.constant 0 : i32
      %add3A_11 = arith.addi %add3A_10, %mul3A_6 : i32
      %select_n3A = arith.constant true
      %select_n3A_12 = arith.constant 0 : i32
      %select_n3A_13 = arith.constant -1 : i32
      %select_n3A_14 = arith.select %select_n3A, %select_n3A_13, %select_n3A_12 : i32
      %eq3A = arith.constant -1 : i32
      %eq3A_15 = arith.cmpi eq, %select_n3A_14, %eq3A : i32
      %select_n3A_16 = arith.constant 1 : i32
      %select_n3A_17 = arith.select %eq3A_15, %select_n3A_16, %select_n3A_14 : i32
      %add3A_18 = arith.addi %select_n3A_17, %mul3A_6 : i32
      %select_n3A_19 = arith.constant true
      %select_n3A_20 = arith.constant 0 : i32
      %select_n3A_21 = arith.constant 1 : i32
      %select_n3A_22 = arith.select %select_n3A_19, %select_n3A_21, %select_n3A_20 : i32
      %eq3A_23 = arith.constant 2 : i32
      %eq3A_24 = arith.cmpi eq, %select_n3A_22, %eq3A_23 : i32
      %select_n3A_25 = arith.constant 0 : i32
      %select_n3A_26 = arith.select %eq3A_24, %select_n3A_25, %select_n3A_22 : i32
      %add3A_27 = arith.addi %select_n3A_26, %mul3A_6 : i32
      %add3A_28 = arith.constant 1 : i32
      %add3A_29 = arith.addi %select_n3A_26, %add3A_28 : i32
      %select_n3A_30 = arith.constant true
      %select_n3A_31 = arith.select %select_n3A_30, %add3A_29, %select_n3A_26 : i32
      %eq3A_32 = arith.constant 2 : i32
      %eq3A_33 = arith.cmpi eq, %select_n3A_31, %eq3A_32 : i32
      %select_n3A_34 = arith.constant 0 : i32
      %select_n3A_35 = arith.select %eq3A_33, %select_n3A_34, %select_n3A_31 : i32
      %add3A_36 = arith.addi %select_n3A_35, %mul3A_6 : i32
      "tpu.trace_start"() <{level = 10 : i32, message = "ep_initialize_0"}> : () -> ()
      %rem3A = arith.constant 0 : i32
      %rem3A_37 = arith.constant 2 : i32
      %rem3A_38 = arith.remui %rem3A, %rem3A_37 : i32
      %mul3A_39 = arith.constant 128 : i32
      %mul3A_40 = arith.muli %mul3A_39, %add3A_11 : i32
      %dma_start3A = arith.constant 0 : i32
      %dma_start3A_41 = arith.constant 0 : i32
      %dma_start3A_42 = tpu.memref_slice %run_scoped3A[%rem3A_38, %dma_start3A, %dma_start3A_41] : memref<2x1x128xi32, #tpu.memory_space<vmem>> -> memref<1x1x128xi32, #tpu.memory_space<vmem>>
      %dma_start3A_43 = tpu.memref_squeeze %dma_start3A_42 : memref<1x1x128xi32, #tpu.memory_space<vmem>> -> memref<1x128xi32, #tpu.memory_space<vmem>>
      %dma_start3A_44 = arith.constant 0 : i32
      %dma_start3A_45 = tpu.memref_slice %arg3[%dma_start3A_44, %mul3A_40] : memref<1x8192xi32, #tpu.memory_space<hbm>> -> memref<1x128xi32, #tpu.memory_space<hbm>>
      %dma_start3A_46 = tpu.memref_slice %run_scoped3A_7[%rem3A_38] : memref<2x!tpu.dma_semaphore, #tpu.memory_space<semaphore_mem>> -> memref<1x!tpu.dma_semaphore, #tpu.memory_space<semaphore_mem>>
      %dma_start3A_47 = tpu.memref_squeeze %dma_start3A_46 : memref<1x!tpu.dma_semaphore, #tpu.memory_space<semaphore_mem>> -> memref<!tpu.dma_semaphore, #tpu.memory_space<semaphore_mem>>
      %dma_start3A_48 = arith.constant 0 : i32
      %dma_start3A_49 = arith.constant 0 : i32
      %dma_start3A_50 = tpu.memref_slice %run_scoped3A[%rem3A_38, %dma_start3A_48, %dma_start3A_49] : memref<2x1x128xi32, #tpu.memory_space<vmem>> -> memref<1x1x128xi32, #tpu.memory_space<vmem>>
      %dma_start3A_51 = tpu.memref_squeeze %dma_start3A_50 : memref<1x1x128xi32, #tpu.memory_space<vmem>> -> memref<1x128xi32, #tpu.memory_space<vmem>>
      %dma_start3A_52 = arith.constant 0 : i32
      %dma_start3A_53 = tpu.memref_slice %arg3[%dma_start3A_52, %mul3A_40] : memref<1x8192xi32, #tpu.memory_space<hbm>> -> memref<1x128xi32, #tpu.memory_space<hbm>>
      tpu.enqueue_dma source(%dma_start3A_53 : memref<1x128xi32, #tpu.memory_space<hbm>>) target(%dma_start3A_51 : memref<1x128xi32, #tpu.memory_space<vmem>>) target_semaphore(%dma_start3A_47 : memref<!tpu.dma_semaphore, #tpu.memory_space<semaphore_mem>>)
      %add3A_54 = arith.constant 0 : i32
      %add3A_55 = arith.constant 1 : i32
      %add3A_56 = arith.addi %add3A_54, %add3A_55 : i32
      %select_n3A_57 = arith.constant true
      %select_n3A_58 = arith.constant 0 : i32
      %select_n3A_59 = arith.select %select_n3A_57, %add3A_56, %select_n3A_58 : i32
      %rem3A_60 = arith.constant 0 : i32
      %rem3A_61 = arith.constant 2 : i32
      %rem3A_62 = arith.remui %rem3A_60, %rem3A_61 : i32
      %jit3A = arith.constant 32 : i32
      %eq3A_63 = arith.constant 0 : i32
      %eq3A_64 = arith.cmpi eq, %jit3A, %eq3A_63 : i32
      %jit3A_65 = arith.constant 1 : i32
      %select_n3A_66 = arith.select %eq3A_64, %jit3A_65, %jit3A : i32
      %rem3A_67 = arith.remsi %add3A_11, %select_n3A_66 : i32
      %ne3A = arith.constant 0 : i32
      %ne3A_68 = arith.cmpi ne, %rem3A_67, %ne3A : i32
      %lt3A = arith.constant 0 : i32
      %lt3A_69 = arith.cmpi slt, %rem3A_67, %lt3A : i32
      %lt3A_70 = arith.constant 0 : i32
      %lt3A_71 = arith.cmpi slt, %select_n3A_66, %lt3A_70 : i32
      %ne3A_72 = arith.xori %lt3A_69, %lt3A_71 : i1
      %and3A = arith.andi %ne3A_72, %ne3A_68 : i1
      %add3A_73 = arith.addi %rem3A_67, %select_n3A_66 : i32
      %select_n3A_74 = arith.select %and3A, %add3A_73, %rem3A_67 : i32
      %mul3A_75 = arith.constant 128 : i32
      %mul3A_76 = arith.muli %mul3A_75, %select_n3A_74 : i32
      %dma_start3A_77 = arith.constant 0 : i32
      %dma_start3A_78 = arith.constant 0 : i32
      %dma_start3A_79 = tpu.memref_slice %run_scoped3A_8[%rem3A_62, %dma_start3A_77, %dma_start3A_78] : memref<2x128x256xi32, #tpu.memory_space<vmem>> -> memref<1x128x256xi32, #tpu.memory_space<vmem>>
      %dma_start3A_80 = tpu.memref_squeeze %dma_start3A_79 : memref<1x128x256xi32, #tpu.memory_space<vmem>> -> memref<128x256xi32, #tpu.memory_space<vmem>>
      %dma_start3A_81 = arith.constant 0 : i32
      %dma_start3A_82 = tpu.memref_slice %arg2[%mul3A_76, %dma_start3A_81] : memref<4096x256xi32, #tpu.memory_space<hbm>> -> memref<128x256xi32, #tpu.memory_space<hbm>>
      %dma_start3A_83 = tpu.memref_slice %run_scoped3A_9[%rem3A_62] : memref<2x!tpu.dma_semaphore, #tpu.memory_space<semaphore_mem>> -> memref<1x!tpu.dma_semaphore, #tpu.memory_space<semaphore_mem>>
      %dma_start3A_84 = tpu.memref_squeeze %dma_start3A_83 : memref<1x!tpu.dma_semaphore, #tpu.memory_space<semaphore_mem>> -> memref<!tpu.dma_semaphore, #tpu.memory_space<semaphore_mem>>
      %dma_start3A_85 = arith.constant 0 : i32
      %dma_start3A_86 = arith.constant 0 : i32
      %dma_start3A_87 = tpu.memref_slice %run_scoped3A_8[%rem3A_62, %dma_start3A_85, %dma_start3A_86] : memref<2x128x256xi32, #tpu.memory_space<vmem>> -> memref<1x128x256xi32, #tpu.memory_space<vmem>>
      %dma_start3A_88 = tpu.memref_squeeze %dma_start3A_87 : memref<1x128x256xi32, #tpu.memory_space<vmem>> -> memref<128x256xi32, #tpu.memory_space<vmem>>
      %dma_start3A_89 = arith.constant 0 : i32
      %dma_start3A_90 = tpu.memref_slice %arg2[%mul3A_76, %dma_start3A_89] : memref<4096x256xi32, #tpu.memory_space<hbm>> -> memref<128x256xi32, #tpu.memory_space<hbm>>
      tpu.enqueue_dma source(%dma_start3A_90 : memref<128x256xi32, #tpu.memory_space<hbm>>) target(%dma_start3A_88 : memref<128x256xi32, #tpu.memory_space<vmem>>) target_semaphore(%dma_start3A_84 : memref<!tpu.dma_semaphore, #tpu.memory_space<semaphore_mem>>)
      %add3A_91 = arith.constant 0 : i32
      %add3A_92 = arith.constant 1 : i32
      %add3A_93 = arith.addi %add3A_91, %add3A_92 : i32
      %select_n3A_94 = arith.constant true
      %select_n3A_95 = arith.constant 0 : i32
      %select_n3A_96 = arith.select %select_n3A_94, %add3A_93, %select_n3A_95 : i32
      "tpu.trace_stop"() : () -> ()
      %scan3A = arith.constant 0 : i32
      %scan3A_97 = arith.constant 0 : i32
      %scan3A_98 = arith.constant 0 : i32
      %scan3A_99 = arith.constant 0 : i32
      %scan3A_100 = arith.constant 2 : i32
      %scan3A_101 = arith.addi %scan3A_99, %scan3A_100 : i32
      %scan3A_102 = arith.constant 1 : i32
      %scan3A_103:5 = scf.for %scan3A_140 = %scan3A_99 to %scan3A_101 step %scan3A_102 iter_args(%scan3A_141 = %select_n3A_59, %scan3A_142 = %scan3A, %scan3A_143 = %select_n3A_96, %scan3A_144 = %scan3A_97, %scan3A_145 = %scan3A_98) -> (i32, i32, i32, i32, i32)  : i32 {
        %eq3A_146 = arith.constant 0 : i32
        %eq3A_147 = arith.cmpi eq, %scan3A_140, %eq3A_146 : i32
        %eq3A_148 = arith.constant 1 : i32
        %eq3A_149 = arith.cmpi eq, %scan3A_140, %eq3A_148 : i32
        %add3A_150 = arith.addi %scan3A_145, %mul3A_6 : i32
        %sub3A_151 = arith.constant 1 : i32
        %sub3A_152 = arith.subi %scan3A_145, %sub3A_151 : i32
        %select_n3A_153 = arith.constant true
        %select_n3A_154 = arith.select %select_n3A_153, %sub3A_152, %scan3A_145 : i32
        %eq3A_155 = arith.constant -1 : i32
        %eq3A_156 = arith.cmpi eq, %select_n3A_154, %eq3A_155 : i32
        %select_n3A_157 = arith.constant 1 : i32
        %select_n3A_158 = arith.select %eq3A_156, %select_n3A_157, %select_n3A_154 : i32
        %add3A_159 = arith.addi %select_n3A_158, %mul3A_6 : i32
        %add3A_160 = arith.constant 1 : i32
        %add3A_161 = arith.addi %scan3A_145, %add3A_160 : i32
        %select_n3A_162 = arith.constant true
        %select_n3A_163 = arith.select %select_n3A_162, %add3A_161, %scan3A_145 : i32
        %eq3A_164 = arith.constant 2 : i32
        %eq3A_165 = arith.cmpi eq, %select_n3A_163, %eq3A_164 : i32
        %select_n3A_166 = arith.constant 0 : i32
        %select_n3A_167 = arith.select %eq3A_165, %select_n3A_166, %select_n3A_163 : i32
        %add3A_168 = arith.addi %select_n3A_167, %mul3A_6 : i32
        %add3A_169 = arith.constant 1 : i32
        %add3A_170 = arith.addi %select_n3A_167, %add3A_169 : i32
        %select_n3A_171 = arith.constant true
        %select_n3A_172 = arith.select %select_n3A_171, %add3A_170, %select_n3A_167 : i32
        %eq3A_173 = arith.constant 2 : i32
        %eq3A_174 = arith.cmpi eq, %select_n3A_172, %eq3A_173 : i32
        %select_n3A_175 = arith.constant 0 : i32
        %select_n3A_176 = arith.select %eq3A_174, %select_n3A_175, %select_n3A_172 : i32
        %add3A_177 = arith.addi %select_n3A_176, %mul3A_6 : i32
        %ne3A_178 = arith.cmpi ne, %add3A_150, %add3A_168 : i32
        %or3A = arith.constant false
        %or3A_179 = arith.ori %or3A, %ne3A_178 : i1
        %ge3A = arith.constant 1 : i32
        %ge3A_180 = arith.cmpi sge, %scan3A_140, %ge3A : i32
        %not3A = arith.constant true
        %not3A_181 = arith.xori %ge3A_180, %not3A : i1
        %and3A_182 = arith.andi %or3A_179, %not3A_181 : i1
        %convert_element_type3A = arith.extui %and3A_182 : i1 to i32
        %cond3A = arith.constant 0 : i32
        %cond3A_183 = arith.cmpi ne, %convert_element_type3A, %cond3A : i32
        scf.if %cond3A_183 {
          "tpu.trace_start"() <{level = 10 : i32, message = "ep_copy_in"}> : () -> ()
          %rem3A_456 = arith.constant 2 : i32
          %rem3A_457 = arith.remui %scan3A_141, %rem3A_456 : i32
          %mul3A_458 = arith.constant 128 : i32
          %mul3A_459 = arith.muli %mul3A_458, %add3A_168 : i32
          %dma_start3A_460 = arith.constant 0 : i32
          %dma_start3A_461 = arith.constant 0 : i32
          %dma_start3A_462 = tpu.memref_slice %run_scoped3A[%rem3A_457, %dma_start3A_460, %dma_start3A_461] : memref<2x1x128xi32, #tpu.memory_space<vmem>> -> memref<1x1x128xi32, #tpu.memory_space<vmem>>
          %dma_start3A_463 = tpu.memref_squeeze %dma_start3A_462 : memref<1x1x128xi32, #tpu.memory_space<vmem>> -> memref<1x128xi32, #tpu.memory_space<vmem>>
          %dma_start3A_464 = arith.constant 0 : i32
          %dma_start3A_465 = tpu.memref_slice %arg3[%dma_start3A_464, %mul3A_459] : memref<1x8192xi32, #tpu.memory_space<hbm>> -> memref<1x128xi32, #tpu.memory_space<hbm>>
          %dma_start3A_466 = tpu.memref_slice %run_scoped3A_7[%rem3A_457] : memref<2x!tpu.dma_semaphore, #tpu.memory_space<semaphore_mem>> -> memref<1x!tpu.dma_semaphore, #tpu.memory_space<semaphore_mem>>
          %dma_start3A_467 = tpu.memref_squeeze %dma_start3A_466 : memref<1x!tpu.dma_semaphore, #tpu.memory_space<semaphore_mem>> -> memref<!tpu.dma_semaphore, #tpu.memory_space<semaphore_mem>>
          %dma_start3A_468 = arith.constant 0 : i32
          %dma_start3A_469 = arith.constant 0 : i32
          %dma_start3A_470 = tpu.memref_slice %run_scoped3A[%rem3A_457, %dma_start3A_468, %dma_start3A_469] : memref<2x1x128xi32, #tpu.memory_space<vmem>> -> memref<1x1x128xi32, #tpu.memory_space<vmem>>
          %dma_start3A_471 = tpu.memref_squeeze %dma_start3A_470 : memref<1x1x128xi32, #tpu.memory_space<vmem>> -> memref<1x128xi32, #tpu.memory_space<vmem>>
          %dma_start3A_472 = arith.constant 0 : i32
          %dma_start3A_473 = tpu.memref_slice %arg3[%dma_start3A_472, %mul3A_459] : memref<1x8192xi32, #tpu.memory_space<hbm>> -> memref<1x128xi32, #tpu.memory_space<hbm>>
          tpu.enqueue_dma source(%dma_start3A_473 : memref<1x128xi32, #tpu.memory_space<hbm>>) target(%dma_start3A_471 : memref<1x128xi32, #tpu.memory_space<vmem>>) target_semaphore(%dma_start3A_467 : memref<!tpu.dma_semaphore, #tpu.memory_space<semaphore_mem>>)
          "tpu.trace_stop"() : () -> ()
        } else {
        }
        %and3A_184 = arith.constant true
        %and3A_185 = arith.andi %and3A_182, %and3A_184 : i1
        %add3A_186 = arith.constant 1 : i32
        %add3A_187 = arith.addi %scan3A_141, %add3A_186 : i32
        %select_n3A_188 = arith.select %and3A_185, %add3A_187, %scan3A_141 : i32
        %jit3A_189 = arith.constant 32 : i32
        %eq3A_190 = arith.constant 0 : i32
        %eq3A_191 = arith.cmpi eq, %jit3A_189, %eq3A_190 : i32
        %jit3A_192 = arith.constant 1 : i32
        %select_n3A_193 = arith.select %eq3A_191, %jit3A_192, %jit3A_189 : i32
        %rem3A_194 = arith.remsi %add3A_150, %select_n3A_193 : i32
        %ne3A_195 = arith.constant 0 : i32
        %ne3A_196 = arith.cmpi ne, %rem3A_194, %ne3A_195 : i32
        %lt3A_197 = arith.constant 0 : i32
        %lt3A_198 = arith.cmpi slt, %rem3A_194, %lt3A_197 : i32
        %lt3A_199 = arith.constant 0 : i32
        %lt3A_200 = arith.cmpi slt, %select_n3A_193, %lt3A_199 : i32
        %ne3A_201 = arith.xori %lt3A_198, %lt3A_200 : i1
        %and3A_202 = arith.andi %ne3A_201, %ne3A_196 : i1
        %add3A_203 = arith.addi %rem3A_194, %select_n3A_193 : i32
        %select_n3A_204 = arith.select %and3A_202, %add3A_203, %rem3A_194 : i32
        %jit3A_205 = arith.constant 32 : i32
        %eq3A_206 = arith.constant 0 : i32
        %eq3A_207 = arith.cmpi eq, %jit3A_205, %eq3A_206 : i32
        %jit3A_208 = arith.constant 1 : i32
        %select_n3A_209 = arith.select %eq3A_207, %jit3A_208, %jit3A_205 : i32
        %rem3A_210 = arith.remsi %add3A_168, %select_n3A_209 : i32
        %ne3A_211 = arith.constant 0 : i32
        %ne3A_212 = arith.cmpi ne, %rem3A_210, %ne3A_211 : i32
        %lt3A_213 = arith.constant 0 : i32
        %lt3A_214 = arith.cmpi slt, %rem3A_210, %lt3A_213 : i32
        %lt3A_215 = arith.constant 0 : i32
        %lt3A_216 = arith.cmpi slt, %select_n3A_209, %lt3A_215 : i32
        %ne3A_217 = arith.xori %lt3A_214, %lt3A_216 : i1
        %and3A_218 = arith.andi %ne3A_217, %ne3A_212 : i1
        %add3A_219 = arith.addi %rem3A_210, %select_n3A_209 : i32
        %select_n3A_220 = arith.select %and3A_218, %add3A_219, %rem3A_210 : i32
        %ne3A_221 = arith.cmpi ne, %select_n3A_204, %select_n3A_220 : i32
        %or3A_222 = arith.constant false
        %or3A_223 = arith.ori %or3A_222, %ne3A_221 : i1
        %or3A_224 = arith.constant false
        %or3A_225 = arith.ori %or3A_223, %or3A_224 : i1
        %ge3A_226 = arith.constant 1 : i32
        %ge3A_227 = arith.cmpi sge, %scan3A_140, %ge3A_226 : i32
        %not3A_228 = arith.constant true
        %not3A_229 = arith.xori %ge3A_227, %not3A_228 : i1
        %and3A_230 = arith.andi %or3A_225, %not3A_229 : i1
        %convert_element_type3A_231 = arith.extui %and3A_230 : i1 to i32
        %cond3A_232 = arith.constant 0 : i32
        %cond3A_233 = arith.cmpi ne, %convert_element_type3A_231, %cond3A_232 : i32
        scf.if %cond3A_233 {
          "tpu.trace_start"() <{level = 10 : i32, message = "ep_copy_in"}> : () -> ()
          %rem3A_456 = arith.constant 2 : i32
          %rem3A_457 = arith.remui %scan3A_143, %rem3A_456 : i32
          %jit3A_458 = arith.constant 32 : i32
          %eq3A_459 = arith.constant 0 : i32
          %eq3A_460 = arith.cmpi eq, %jit3A_458, %eq3A_459 : i32
          %jit3A_461 = arith.constant 1 : i32
          %select_n3A_462 = arith.select %eq3A_460, %jit3A_461, %jit3A_458 : i32
          %rem3A_463 = arith.remsi %add3A_168, %select_n3A_462 : i32
          %ne3A_464 = arith.constant 0 : i32
          %ne3A_465 = arith.cmpi ne, %rem3A_463, %ne3A_464 : i32
          %lt3A_466 = arith.constant 0 : i32
          %lt3A_467 = arith.cmpi slt, %rem3A_463, %lt3A_466 : i32
          %lt3A_468 = arith.constant 0 : i32
          %lt3A_469 = arith.cmpi slt, %select_n3A_462, %lt3A_468 : i32
          %ne3A_470 = arith.xori %lt3A_467, %lt3A_469 : i1
          %and3A_471 = arith.andi %ne3A_470, %ne3A_465 : i1
          %add3A_472 = arith.addi %rem3A_463, %select_n3A_462 : i32
          %select_n3A_473 = arith.select %and3A_471, %add3A_472, %rem3A_463 : i32
          %mul3A_474 = arith.constant 128 : i32
          %mul3A_475 = arith.muli %mul3A_474, %select_n3A_473 : i32
          %dma_start3A_476 = arith.constant 0 : i32
          %dma_start3A_477 = arith.constant 0 : i32
          %dma_start3A_478 = tpu.memref_slice %run_scoped3A_8[%rem3A_457, %dma_start3A_476, %dma_start3A_477] : memref<2x128x256xi32, #tpu.memory_space<vmem>> -> memref<1x128x256xi32, #tpu.memory_space<vmem>>
          %dma_start3A_479 = tpu.memref_squeeze %dma_start3A_478 : memref<1x128x256xi32, #tpu.memory_space<vmem>> -> memref<128x256xi32, #tpu.memory_space<vmem>>
          %dma_start3A_480 = arith.constant 0 : i32
          %dma_start3A_481 = tpu.memref_slice %arg2[%mul3A_475, %dma_start3A_480] : memref<4096x256xi32, #tpu.memory_space<hbm>> -> memref<128x256xi32, #tpu.memory_space<hbm>>
          %dma_start3A_482 = tpu.memref_slice %run_scoped3A_9[%rem3A_457] : memref<2x!tpu.dma_semaphore, #tpu.memory_space<semaphore_mem>> -> memref<1x!tpu.dma_semaphore, #tpu.memory_space<semaphore_mem>>
          %dma_start3A_483 = tpu.memref_squeeze %dma_start3A_482 : memref<1x!tpu.dma_semaphore, #tpu.memory_space<semaphore_mem>> -> memref<!tpu.dma_semaphore, #tpu.memory_space<semaphore_mem>>
          %dma_start3A_484 = arith.constant 0 : i32
          %dma_start3A_485 = arith.constant 0 : i32
          %dma_start3A_486 = tpu.memref_slice %run_scoped3A_8[%rem3A_457, %dma_start3A_484, %dma_start3A_485] : memref<2x128x256xi32, #tpu.memory_space<vmem>> -> memref<1x128x256xi32, #tpu.memory_space<vmem>>
          %dma_start3A_487 = tpu.memref_squeeze %dma_start3A_486 : memref<1x128x256xi32, #tpu.memory_space<vmem>> -> memref<128x256xi32, #tpu.memory_space<vmem>>
          %dma_start3A_488 = arith.constant 0 : i32
          %dma_start3A_489 = tpu.memref_slice %arg2[%mul3A_475, %dma_start3A_488] : memref<4096x256xi32, #tpu.memory_space<hbm>> -> memref<128x256xi32, #tpu.memory_space<hbm>>
          tpu.enqueue_dma source(%dma_start3A_489 : memref<128x256xi32, #tpu.memory_space<hbm>>) target(%dma_start3A_487 : memref<128x256xi32, #tpu.memory_space<vmem>>) target_semaphore(%dma_start3A_483 : memref<!tpu.dma_semaphore, #tpu.memory_space<semaphore_mem>>)
          "tpu.trace_stop"() : () -> ()
        } else {
        }
        %and3A_234 = arith.constant true
        %and3A_235 = arith.andi %and3A_230, %and3A_234 : i1
        %add3A_236 = arith.constant 1 : i32
        %add3A_237 = arith.addi %scan3A_143, %add3A_236 : i32
        %select_n3A_238 = arith.select %and3A_235, %add3A_237, %scan3A_143 : i32
        %ne3A_239 = arith.cmpi ne, %add3A_150, %add3A_159 : i32
        %or3A_240 = arith.constant false
        %or3A_241 = arith.ori %or3A_240, %ne3A_239 : i1
        %or3A_242 = arith.ori %or3A_241, %eq3A_147 : i1
        %convert_element_type3A_243 = arith.extui %or3A_242 : i1 to i32
        %cond3A_244 = arith.constant 0 : i32
        %cond3A_245 = arith.cmpi ne, %convert_element_type3A_243, %cond3A_244 : i32
        scf.if %cond3A_245 {
          "tpu.trace_start"() <{level = 10 : i32, message = "ep_wait_in"}> : () -> ()
          %mul3A_456 = arith.constant 128 : i32
          %mul3A_457 = arith.muli %mul3A_456, %add3A_150 : i32
          %rem3A_458 = arith.constant 2 : i32
          %rem3A_459 = arith.remui %scan3A_142, %rem3A_458 : i32
          %dma_wait3A = arith.constant 0 : i32
          %dma_wait3A_460 = arith.constant 0 : i32
          %dma_wait3A_461 = tpu.memref_slice %run_scoped3A[%rem3A_459, %dma_wait3A, %dma_wait3A_460] : memref<2x1x128xi32, #tpu.memory_space<vmem>> -> memref<1x1x128xi32, #tpu.memory_space<vmem>>
          %dma_wait3A_462 = tpu.memref_squeeze %dma_wait3A_461 : memref<1x1x128xi32, #tpu.memory_space<vmem>> -> memref<1x128xi32, #tpu.memory_space<vmem>>
          %dma_wait3A_463 = arith.constant 0 : i32
          %dma_wait3A_464 = tpu.memref_slice %arg3[%dma_wait3A_463, %mul3A_457] : memref<1x8192xi32, #tpu.memory_space<hbm>> -> memref<1x128xi32, #tpu.memory_space<hbm>>
          %dma_wait3A_465 = tpu.memref_slice %run_scoped3A_7[%rem3A_459] : memref<2x!tpu.dma_semaphore, #tpu.memory_space<semaphore_mem>> -> memref<1x!tpu.dma_semaphore, #tpu.memory_space<semaphore_mem>>
          %dma_wait3A_466 = tpu.memref_squeeze %dma_wait3A_465 : memref<1x!tpu.dma_semaphore, #tpu.memory_space<semaphore_mem>> -> memref<!tpu.dma_semaphore, #tpu.memory_space<semaphore_mem>>
          %dma_wait3A_467 = arith.constant 0 : i32
          %dma_wait3A_468 = arith.constant 0 : i32
          %dma_wait3A_469 = tpu.memref_slice %run_scoped3A[%rem3A_459, %dma_wait3A_467, %dma_wait3A_468] : memref<2x1x128xi32, #tpu.memory_space<vmem>> -> memref<1x1x128xi32, #tpu.memory_space<vmem>>
          %dma_wait3A_470 = tpu.memref_squeeze %dma_wait3A_469 : memref<1x1x128xi32, #tpu.memory_space<vmem>> -> memref<1x128xi32, #tpu.memory_space<vmem>>
          %dma_wait3A_471 = arith.constant 0 : i32
          %dma_wait3A_472 = tpu.memref_slice %arg3[%dma_wait3A_471, %mul3A_457] : memref<1x8192xi32, #tpu.memory_space<hbm>> -> memref<1x128xi32, #tpu.memory_space<hbm>>
          tpu.wait_dma2 semaphore(%dma_wait3A_466 : memref<!tpu.dma_semaphore, #tpu.memory_space<semaphore_mem>>) src(%dma_wait3A_472 : memref<1x128xi32, #tpu.memory_space<hbm>>) dst(%dma_wait3A_470 : memref<1x128xi32, #tpu.memory_space<vmem>>)
          "tpu.trace_stop"() : () -> ()
        } else {
        }
        %jit3A_246 = arith.constant 32 : i32
        %eq3A_247 = arith.constant 0 : i32
        %eq3A_248 = arith.cmpi eq, %jit3A_246, %eq3A_247 : i32
        %jit3A_249 = arith.constant 1 : i32
        %select_n3A_250 = arith.select %eq3A_248, %jit3A_249, %jit3A_246 : i32
        %rem3A_251 = arith.remsi %add3A_150, %select_n3A_250 : i32
        %ne3A_252 = arith.constant 0 : i32
        %ne3A_253 = arith.cmpi ne, %rem3A_251, %ne3A_252 : i32
        %lt3A_254 = arith.constant 0 : i32
        %lt3A_255 = arith.cmpi slt, %rem3A_251, %lt3A_254 : i32
        %lt3A_256 = arith.constant 0 : i32
        %lt3A_257 = arith.cmpi slt, %select_n3A_250, %lt3A_256 : i32
        %ne3A_258 = arith.xori %lt3A_255, %lt3A_257 : i1
        %and3A_259 = arith.andi %ne3A_258, %ne3A_253 : i1
        %add3A_260 = arith.addi %rem3A_251, %select_n3A_250 : i32
        %select_n3A_261 = arith.select %and3A_259, %add3A_260, %rem3A_251 : i32
        %jit3A_262 = arith.constant 32 : i32
        %eq3A_263 = arith.constant 0 : i32
        %eq3A_264 = arith.cmpi eq, %jit3A_262, %eq3A_263 : i32
        %jit3A_265 = arith.constant 1 : i32
        %select_n3A_266 = arith.select %eq3A_264, %jit3A_265, %jit3A_262 : i32
        %rem3A_267 = arith.remsi %add3A_159, %select_n3A_266 : i32
        %ne3A_268 = arith.constant 0 : i32
        %ne3A_269 = arith.cmpi ne, %rem3A_267, %ne3A_268 : i32
        %lt3A_270 = arith.constant 0 : i32
        %lt3A_271 = arith.cmpi slt, %rem3A_267, %lt3A_270 : i32
        %lt3A_272 = arith.constant 0 : i32
        %lt3A_273 = arith.cmpi slt, %select_n3A_266, %lt3A_272 : i32
        %ne3A_274 = arith.xori %lt3A_271, %lt3A_273 : i1
        %and3A_275 = arith.andi %ne3A_274, %ne3A_269 : i1
        %add3A_276 = arith.addi %rem3A_267, %select_n3A_266 : i32
        %select_n3A_277 = arith.select %and3A_275, %add3A_276, %rem3A_267 : i32
        %ne3A_278 = arith.cmpi ne, %select_n3A_261, %select_n3A_277 : i32
        %or3A_279 = arith.constant false
        %or3A_280 = arith.ori %or3A_279, %ne3A_278 : i1
        %or3A_281 = arith.constant false
        %or3A_282 = arith.ori %or3A_280, %or3A_281 : i1
        %or3A_283 = arith.ori %or3A_282, %eq3A_147 : i1
        %convert_element_type3A_284 = arith.extui %or3A_283 : i1 to i32
        %cond3A_285 = arith.constant 0 : i32
        %cond3A_286 = arith.cmpi ne, %convert_element_type3A_284, %cond3A_285 : i32
        scf.if %cond3A_286 {
          %jit3A_456 = arith.constant 32 : i32
          "tpu.trace_start"() <{level = 10 : i32, message = "ep_wait_in"}> : () -> ()
          %eq3A_457 = arith.constant 0 : i32
          %eq3A_458 = arith.cmpi eq, %jit3A_456, %eq3A_457 : i32
          %jit3A_459 = arith.constant 1 : i32
          %select_n3A_460 = arith.select %eq3A_458, %jit3A_459, %jit3A_456 : i32
          %rem3A_461 = arith.remsi %add3A_150, %select_n3A_460 : i32
          %ne3A_462 = arith.constant 0 : i32
          %ne3A_463 = arith.cmpi ne, %rem3A_461, %ne3A_462 : i32
          %lt3A_464 = arith.constant 0 : i32
          %lt3A_465 = arith.cmpi slt, %rem3A_461, %lt3A_464 : i32
          %lt3A_466 = arith.constant 0 : i32
          %lt3A_467 = arith.cmpi slt, %select_n3A_460, %lt3A_466 : i32
          %ne3A_468 = arith.xori %lt3A_465, %lt3A_467 : i1
          %and3A_469 = arith.andi %ne3A_468, %ne3A_463 : i1
          %add3A_470 = arith.addi %rem3A_461, %select_n3A_460 : i32
          %select_n3A_471 = arith.select %and3A_469, %add3A_470, %rem3A_461 : i32
          %mul3A_472 = arith.constant 128 : i32
          %mul3A_473 = arith.muli %mul3A_472, %select_n3A_471 : i32
          %rem3A_474 = arith.constant 2 : i32
          %rem3A_475 = arith.remui %scan3A_144, %rem3A_474 : i32
          %dma_wait3A = arith.constant 0 : i32
          %dma_wait3A_476 = arith.constant 0 : i32
          %dma_wait3A_477 = tpu.memref_slice %run_scoped3A_8[%rem3A_475, %dma_wait3A, %dma_wait3A_476] : memref<2x128x256xi32, #tpu.memory_space<vmem>> -> memref<1x128x256xi32, #tpu.memory_space<vmem>>
          %dma_wait3A_478 = tpu.memref_squeeze %dma_wait3A_477 : memref<1x128x256xi32, #tpu.memory_space<vmem>> -> memref<128x256xi32, #tpu.memory_space<vmem>>
          %dma_wait3A_479 = arith.constant 0 : i32
          %dma_wait3A_480 = tpu.memref_slice %arg2[%mul3A_473, %dma_wait3A_479] : memref<4096x256xi32, #tpu.memory_space<hbm>> -> memref<128x256xi32, #tpu.memory_space<hbm>>
          %dma_wait3A_481 = tpu.memref_slice %run_scoped3A_9[%rem3A_475] : memref<2x!tpu.dma_semaphore, #tpu.memory_space<semaphore_mem>> -> memref<1x!tpu.dma_semaphore, #tpu.memory_space<semaphore_mem>>
          %dma_wait3A_482 = tpu.memref_squeeze %dma_wait3A_481 : memref<1x!tpu.dma_semaphore, #tpu.memory_space<semaphore_mem>> -> memref<!tpu.dma_semaphore, #tpu.memory_space<semaphore_mem>>
          %dma_wait3A_483 = arith.constant 0 : i32
          %dma_wait3A_484 = arith.constant 0 : i32
          %dma_wait3A_485 = tpu.memref_slice %run_scoped3A_8[%rem3A_475, %dma_wait3A_483, %dma_wait3A_484] : memref<2x128x256xi32, #tpu.memory_space<vmem>> -> memref<1x128x256xi32, #tpu.memory_space<vmem>>
          %dma_wait3A_486 = tpu.memref_squeeze %dma_wait3A_485 : memref<1x128x256xi32, #tpu.memory_space<vmem>> -> memref<128x256xi32, #tpu.memory_space<vmem>>
          %dma_wait3A_487 = arith.constant 0 : i32
          %dma_wait3A_488 = tpu.memref_slice %arg2[%mul3A_473, %dma_wait3A_487] : memref<4096x256xi32, #tpu.memory_space<hbm>> -> memref<128x256xi32, #tpu.memory_space<hbm>>
          tpu.wait_dma2 semaphore(%dma_wait3A_482 : memref<!tpu.dma_semaphore, #tpu.memory_space<semaphore_mem>>) src(%dma_wait3A_488 : memref<128x256xi32, #tpu.memory_space<hbm>>) dst(%dma_wait3A_486 : memref<128x256xi32, #tpu.memory_space<vmem>>)
          "tpu.trace_stop"() : () -> ()
        } else {
        }
        %rem3A_287 = arith.constant 2 : i32
        %rem3A_288 = arith.remui %scan3A_142, %rem3A_287 : i32
        %rem3A_289 = arith.constant 2 : i32
        %rem3A_290 = arith.remui %scan3A_144, %rem3A_289 : i32
        %run_scoped3A_291 = arith.constant 0 : i32
        "tpu.trace_start"() <{level = 10 : i32, message = "ep_run_kernel"}> : () -> ()
        "tpu.region"() ({
          %run_scoped3A_456 = tpu.sem_alloc : memref<!tpu.dma_semaphore, #tpu.memory_space<semaphore_mem>>
          %dma_start3A_457 = arith.constant 0 : i32
          %dma_start3A_458 = arith.constant 0 : i32
          %dma_start3A_459 = tpu.memref_slice %run_scoped3A_8[%rem3A_290, %dma_start3A_457, %dma_start3A_458] : memref<2x128x256xi32, #tpu.memory_space<vmem>> -> memref<1x128x256xi32, #tpu.memory_space<vmem>>
          %dma_start3A_460 = tpu.memref_squeeze %dma_start3A_459 : memref<1x128x256xi32, #tpu.memory_space<vmem>> -> memref<128x256xi32, #tpu.memory_space<vmem>>
          %dma_start3A_461 = arith.constant 0 : i32
          %dma_start3A_462 = arith.constant 0 : i32
          %dma_start3A_463 = tpu.memref_slice %run_scoped3A[%rem3A_288, %dma_start3A_461, %dma_start3A_462] : memref<2x1x128xi32, #tpu.memory_space<vmem>> -> memref<1x1x128xi32, #tpu.memory_space<vmem>>
          %dma_start3A_464 = tpu.memref_squeeze %dma_start3A_463 : memref<1x1x128xi32, #tpu.memory_space<vmem>> -> memref<1x128xi32, #tpu.memory_space<vmem>>
          %dma_start3A_465 = arith.constant 0 : i32
          %dma_start3A_466 = tpu.memref_slice %dma_start3A_464[%run_scoped3A_291, %dma_start3A_465] : memref<1x128xi32, #tpu.memory_space<vmem>> -> memref<1x128xi32, #tpu.memory_space<vmem>>
          %dma_start3A_467 = tpu.memref_squeeze %dma_start3A_466 : memref<1x128xi32, #tpu.memory_space<vmem>> -> memref<128xi32, #tpu.memory_space<vmem>>
          %dma_start3A_468 = arith.constant 0 : i32
          %dma_start3A_469 = arith.constant 0 : i32
          %dma_start3A_470 = tpu.memref_slice %arg4[%dma_start3A_468, %dma_start3A_469] : memref<12288x256xi32, #tpu.memory_space<hbm>> -> memref<12288x256xi32, #tpu.memory_space<hbm>>
          tpu.enqueue_indirect_dma source(%dma_start3A_460 : memref<128x256xi32, #tpu.memory_space<vmem>>) target(%dma_start3A_470 : memref<12288x256xi32, #tpu.memory_space<hbm>>) offsets(%dma_start3A_467 : memref<128xi32, #tpu.memory_space<vmem>>) semaphore(%run_scoped3A_456 : memref<!tpu.dma_semaphore, #tpu.memory_space<semaphore_mem>>)
          %dma_wait3A = arith.constant 0 : i32
          %dma_wait3A_471 = arith.constant 0 : i32
          %dma_wait3A_472 = tpu.memref_slice %run_scoped3A_8[%rem3A_290, %dma_wait3A, %dma_wait3A_471] : memref<2x128x256xi32, #tpu.memory_space<vmem>> -> memref<1x128x256xi32, #tpu.memory_space<vmem>>
          %dma_wait3A_473 = tpu.memref_squeeze %dma_wait3A_472 : memref<1x128x256xi32, #tpu.memory_space<vmem>> -> memref<128x256xi32, #tpu.memory_space<vmem>>
          %dma_wait3A_474 = arith.constant 0 : i32
          %dma_wait3A_475 = arith.constant 0 : i32
          %dma_wait3A_476 = tpu.memref_slice %run_scoped3A[%rem3A_288, %dma_wait3A_474, %dma_wait3A_475] : memref<2x1x128xi32, #tpu.memory_space<vmem>> -> memref<1x1x128xi32, #tpu.memory_space<vmem>>
          %dma_wait3A_477 = tpu.memref_squeeze %dma_wait3A_476 : memref<1x1x128xi32, #tpu.memory_space<vmem>> -> memref<1x128xi32, #tpu.memory_space<vmem>>
          %dma_wait3A_478 = arith.constant 0 : i32
          %dma_wait3A_479 = tpu.memref_slice %dma_wait3A_477[%run_scoped3A_291, %dma_wait3A_478] : memref<1x128xi32, #tpu.memory_space<vmem>> -> memref<1x128xi32, #tpu.memory_space<vmem>>
          %dma_wait3A_480 = tpu.memref_squeeze %dma_wait3A_479 : memref<1x128xi32, #tpu.memory_space<vmem>> -> memref<128xi32, #tpu.memory_space<vmem>>
          %dma_wait3A_481 = arith.constant 0 : i32
          %dma_wait3A_482 = arith.constant 0 : i32
          %dma_wait3A_483 = tpu.memref_slice %arg4[%dma_wait3A_481, %dma_wait3A_482] : memref<12288x256xi32, #tpu.memory_space<hbm>> -> memref<12288x256xi32, #tpu.memory_space<hbm>>
          tpu.wait_indirect_dma semaphore(%run_scoped3A_456 : memref<!tpu.dma_semaphore, #tpu.memory_space<semaphore_mem>>) src(%dma_wait3A_473 : memref<128x256xi32, #tpu.memory_space<vmem>>) dst(%dma_wait3A_483 : memref<12288x256xi32, #tpu.memory_space<hbm>>)
          tpu.yield
        }) : () -> ()
        "tpu.trace_stop"() : () -> ()
        %ne3A_292 = arith.cmpi ne, %add3A_150, %add3A_168 : i32
        %or3A_293 = arith.constant false
        %or3A_294 = arith.ori %or3A_293, %ne3A_292 : i1
        %or3A_295 = arith.ori %or3A_294, %eq3A_149 : i1
        %convert_element_type3A_296 = arith.extui %or3A_295 : i1 to i32
        %cond3A_297 = arith.constant 0 : i32
        %cond3A_298 = arith.cmpi ne, %convert_element_type3A_296, %cond3A_297 : i32
        scf.if %cond3A_298 {
        } else {
        }
        %and3A_299 = arith.constant false
        %and3A_300 = arith.andi %or3A_295, %and3A_299 : i1
        %jit3A_301 = arith.constant 32 : i32
        %eq3A_302 = arith.constant 0 : i32
        %eq3A_303 = arith.cmpi eq, %jit3A_301, %eq3A_302 : i32
        %jit3A_304 = arith.constant 1 : i32
        %select_n3A_305 = arith.select %eq3A_303, %jit3A_304, %jit3A_301 : i32
        %rem3A_306 = arith.remsi %add3A_150, %select_n3A_305 : i32
        %ne3A_307 = arith.constant 0 : i32
        %ne3A_308 = arith.cmpi ne, %rem3A_306, %ne3A_307 : i32
        %lt3A_309 = arith.constant 0 : i32
        %lt3A_310 = arith.cmpi slt, %rem3A_306, %lt3A_309 : i32
        %lt3A_311 = arith.constant 0 : i32
        %lt3A_312 = arith.cmpi slt, %select_n3A_305, %lt3A_311 : i32
        %ne3A_313 = arith.xori %lt3A_310, %lt3A_312 : i1
        %and3A_314 = arith.andi %ne3A_313, %ne3A_308 : i1
        %add3A_315 = arith.addi %rem3A_306, %select_n3A_305 : i32
        %select_n3A_316 = arith.select %and3A_314, %add3A_315, %rem3A_306 : i32
        %jit3A_317 = arith.constant 32 : i32
        %eq3A_318 = arith.constant 0 : i32
        %eq3A_319 = arith.cmpi eq, %jit3A_317, %eq3A_318 : i32
        %jit3A_320 = arith.constant 1 : i32
        %select_n3A_321 = arith.select %eq3A_319, %jit3A_320, %jit3A_317 : i32
        %rem3A_322 = arith.remsi %add3A_168, %select_n3A_321 : i32
        %ne3A_323 = arith.constant 0 : i32
        %ne3A_324 = arith.cmpi ne, %rem3A_322, %ne3A_323 : i32
        %lt3A_325 = arith.constant 0 : i32
        %lt3A_326 = arith.cmpi slt, %rem3A_322, %lt3A_325 : i32
        %lt3A_327 = arith.constant 0 : i32
        %lt3A_328 = arith.cmpi slt, %select_n3A_321, %lt3A_327 : i32
        %ne3A_329 = arith.xori %lt3A_326, %lt3A_328 : i1
        %and3A_330 = arith.andi %ne3A_329, %ne3A_324 : i1
        %add3A_331 = arith.addi %rem3A_322, %select_n3A_321 : i32
        %select_n3A_332 = arith.select %and3A_330, %add3A_331, %rem3A_322 : i32
        %ne3A_333 = arith.cmpi ne, %select_n3A_316, %select_n3A_332 : i32
        %or3A_334 = arith.constant false
        %or3A_335 = arith.ori %or3A_334, %ne3A_333 : i1
        %or3A_336 = arith.constant false
        %or3A_337 = arith.ori %or3A_335, %or3A_336 : i1
        %or3A_338 = arith.ori %or3A_337, %eq3A_149 : i1
        %convert_element_type3A_339 = arith.extui %or3A_338 : i1 to i32
        %cond3A_340 = arith.constant 0 : i32
        %cond3A_341 = arith.cmpi ne, %convert_element_type3A_339, %cond3A_340 : i32
        scf.if %cond3A_341 {
        } else {
        }
        %and3A_342 = arith.constant false
        %and3A_343 = arith.andi %or3A_338, %and3A_342 : i1
        %ne3A_344 = arith.cmpi ne, %add3A_150, %add3A_159 : i32
        %or3A_345 = arith.constant false
        %or3A_346 = arith.ori %or3A_345, %ne3A_344 : i1
        %not3A_347 = arith.constant true
        %not3A_348 = arith.xori %eq3A_147, %not3A_347 : i1
        %and3A_349 = arith.andi %or3A_346, %not3A_348 : i1
        %convert_element_type3A_350 = arith.extui %and3A_349 : i1 to i32
        %cond3A_351 = arith.constant 0 : i32
        %cond3A_352 = arith.cmpi ne, %convert_element_type3A_350, %cond3A_351 : i32
        scf.if %cond3A_352 {
        } else {
        }
        %and3A_353 = arith.constant false
        %and3A_354 = arith.andi %and3A_349, %and3A_353 : i1
        %jit3A_355 = arith.constant 32 : i32
        %eq3A_356 = arith.constant 0 : i32
        %eq3A_357 = arith.cmpi eq, %jit3A_355, %eq3A_356 : i32
        %jit3A_358 = arith.constant 1 : i32
        %select_n3A_359 = arith.select %eq3A_357, %jit3A_358, %jit3A_355 : i32
        %rem3A_360 = arith.remsi %add3A_150, %select_n3A_359 : i32
        %ne3A_361 = arith.constant 0 : i32
        %ne3A_362 = arith.cmpi ne, %rem3A_360, %ne3A_361 : i32
        %lt3A_363 = arith.constant 0 : i32
        %lt3A_364 = arith.cmpi slt, %rem3A_360, %lt3A_363 : i32
        %lt3A_365 = arith.constant 0 : i32
        %lt3A_366 = arith.cmpi slt, %select_n3A_359, %lt3A_365 : i32
        %ne3A_367 = arith.xori %lt3A_364, %lt3A_366 : i1
        %and3A_368 = arith.andi %ne3A_367, %ne3A_362 : i1
        %add3A_369 = arith.addi %rem3A_360, %select_n3A_359 : i32
        %select_n3A_370 = arith.select %and3A_368, %add3A_369, %rem3A_360 : i32
        %jit3A_371 = arith.constant 32 : i32
        %eq3A_372 = arith.constant 0 : i32
        %eq3A_373 = arith.cmpi eq, %jit3A_371, %eq3A_372 : i32
        %jit3A_374 = arith.constant 1 : i32
        %select_n3A_375 = arith.select %eq3A_373, %jit3A_374, %jit3A_371 : i32
        %rem3A_376 = arith.remsi %add3A_159, %select_n3A_375 : i32
        %ne3A_377 = arith.constant 0 : i32
        %ne3A_378 = arith.cmpi ne, %rem3A_376, %ne3A_377 : i32
        %lt3A_379 = arith.constant 0 : i32
        %lt3A_380 = arith.cmpi slt, %rem3A_376, %lt3A_379 : i32
        %lt3A_381 = arith.constant 0 : i32
        %lt3A_382 = arith.cmpi slt, %select_n3A_375, %lt3A_381 : i32
        %ne3A_383 = arith.xori %lt3A_380, %lt3A_382 : i1
        %and3A_384 = arith.andi %ne3A_383, %ne3A_378 : i1
        %add3A_385 = arith.addi %rem3A_376, %select_n3A_375 : i32
        %select_n3A_386 = arith.select %and3A_384, %add3A_385, %rem3A_376 : i32
        %ne3A_387 = arith.cmpi ne, %select_n3A_370, %select_n3A_386 : i32
        %or3A_388 = arith.constant false
        %or3A_389 = arith.ori %or3A_388, %ne3A_387 : i1
        %or3A_390 = arith.constant false
        %or3A_391 = arith.ori %or3A_389, %or3A_390 : i1
        %not3A_392 = arith.constant true
        %not3A_393 = arith.xori %eq3A_147, %not3A_392 : i1
        %and3A_394 = arith.andi %or3A_391, %not3A_393 : i1
        %convert_element_type3A_395 = arith.extui %and3A_394 : i1 to i32
        %cond3A_396 = arith.constant 0 : i32
        %cond3A_397 = arith.cmpi ne, %convert_element_type3A_395, %cond3A_396 : i32
        scf.if %cond3A_397 {
        } else {
        }
        %and3A_398 = arith.constant false
        %and3A_399 = arith.andi %and3A_394, %and3A_398 : i1
        %ne3A_400 = arith.cmpi ne, %add3A_150, %add3A_168 : i32
        %or3A_401 = arith.constant false
        %or3A_402 = arith.ori %or3A_401, %ne3A_400 : i1
        %or3A_403 = arith.ori %or3A_402, %eq3A_149 : i1
        %add3A_404 = arith.constant 1 : i32
        %add3A_405 = arith.addi %scan3A_142, %add3A_404 : i32
        %select_n3A_406 = arith.select %or3A_403, %add3A_405, %scan3A_142 : i32
        %jit3A_407 = arith.constant 32 : i32
        %eq3A_408 = arith.constant 0 : i32
        %eq3A_409 = arith.cmpi eq, %jit3A_407, %eq3A_408 : i32
        %jit3A_410 = arith.constant 1 : i32
        %select_n3A_411 = arith.select %eq3A_409, %jit3A_410, %jit3A_407 : i32
        %rem3A_412 = arith.remsi %add3A_150, %select_n3A_411 : i32
        %ne3A_413 = arith.constant 0 : i32
        %ne3A_414 = arith.cmpi ne, %rem3A_412, %ne3A_413 : i32
        %lt3A_415 = arith.constant 0 : i32
        %lt3A_416 = arith.cmpi slt, %rem3A_412, %lt3A_415 : i32
        %lt3A_417 = arith.constant 0 : i32
        %lt3A_418 = arith.cmpi slt, %select_n3A_411, %lt3A_417 : i32
        %ne3A_419 = arith.xori %lt3A_416, %lt3A_418 : i1
        %and3A_420 = arith.andi %ne3A_419, %ne3A_414 : i1
        %add3A_421 = arith.addi %rem3A_412, %select_n3A_411 : i32
        %select_n3A_422 = arith.select %and3A_420, %add3A_421, %rem3A_412 : i32
        %jit3A_423 = arith.constant 32 : i32
        %eq3A_424 = arith.constant 0 : i32
        %eq3A_425 = arith.cmpi eq, %jit3A_423, %eq3A_424 : i32
        %jit3A_426 = arith.constant 1 : i32
        %select_n3A_427 = arith.select %eq3A_425, %jit3A_426, %jit3A_423 : i32
        %rem3A_428 = arith.remsi %add3A_168, %select_n3A_427 : i32
        %ne3A_429 = arith.constant 0 : i32
        %ne3A_430 = arith.cmpi ne, %rem3A_428, %ne3A_429 : i32
        %lt3A_431 = arith.constant 0 : i32
        %lt3A_432 = arith.cmpi slt, %rem3A_428, %lt3A_431 : i32
        %lt3A_433 = arith.constant 0 : i32
        %lt3A_434 = arith.cmpi slt, %select_n3A_427, %lt3A_433 : i32
        %ne3A_435 = arith.xori %lt3A_432, %lt3A_434 : i1
        %and3A_436 = arith.andi %ne3A_435, %ne3A_430 : i1
        %add3A_437 = arith.addi %rem3A_428, %select_n3A_427 : i32
        %select_n3A_438 = arith.select %and3A_436, %add3A_437, %rem3A_428 : i32
        %ne3A_439 = arith.cmpi ne, %select_n3A_422, %select_n3A_438 : i32
        %or3A_440 = arith.constant false
        %or3A_441 = arith.ori %or3A_440, %ne3A_439 : i1
        %or3A_442 = arith.constant false
        %or3A_443 = arith.ori %or3A_441, %or3A_442 : i1
        %or3A_444 = arith.ori %or3A_443, %eq3A_149 : i1
        %add3A_445 = arith.constant 1 : i32
        %add3A_446 = arith.addi %scan3A_144, %add3A_445 : i32
        %select_n3A_447 = arith.select %or3A_444, %add3A_446, %scan3A_144 : i32
        %add3A_448 = arith.constant 1 : i32
        %add3A_449 = arith.addi %scan3A_145, %add3A_448 : i32
        %select_n3A_450 = arith.constant true
        %select_n3A_451 = arith.select %select_n3A_450, %add3A_449, %scan3A_145 : i32
        %eq3A_452 = arith.constant 2 : i32
        %eq3A_453 = arith.cmpi eq, %select_n3A_451, %eq3A_452 : i32
        %select_n3A_454 = arith.constant 0 : i32
        %select_n3A_455 = arith.select %eq3A_453, %select_n3A_454, %select_n3A_451 : i32
        scf.yield %select_n3A_188, %select_n3A_406, %select_n3A_238, %select_n3A_447, %select_n3A_455 : i32, i32, i32, i32, i32
      }
      %scan3A_104 = arith.constant 2 : i32
      %sub3A = arith.constant 1 : i32
      %sub3A_105 = arith.subi %scan3A_103#4, %sub3A : i32
      %select_n3A_106 = arith.constant true
      %select_n3A_107 = arith.select %select_n3A_106, %sub3A_105, %scan3A_103#4 : i32
      %eq3A_108 = arith.constant -1 : i32
      %eq3A_109 = arith.cmpi eq, %select_n3A_107, %eq3A_108 : i32
      %select_n3A_110 = arith.constant 1 : i32
      %select_n3A_111 = arith.select %eq3A_109, %select_n3A_110, %select_n3A_107 : i32
      %add3A_112 = arith.addi %select_n3A_111, %mul3A_6 : i32
      %sub3A_113 = arith.constant 1 : i32
      %sub3A_114 = arith.subi %select_n3A_111, %sub3A_113 : i32
      %select_n3A_115 = arith.constant true
      %select_n3A_116 = arith.select %select_n3A_115, %sub3A_114, %select_n3A_111 : i32
      %eq3A_117 = arith.constant -1 : i32
      %eq3A_118 = arith.cmpi eq, %select_n3A_116, %eq3A_117 : i32
      %select_n3A_119 = arith.constant 1 : i32
      %select_n3A_120 = arith.select %eq3A_118, %select_n3A_119, %select_n3A_116 : i32
      %add3A_121 = arith.addi %select_n3A_120, %mul3A_6 : i32
      %add3A_122 = arith.constant 1 : i32
      %add3A_123 = arith.addi %select_n3A_111, %add3A_122 : i32
      %select_n3A_124 = arith.constant true
      %select_n3A_125 = arith.select %select_n3A_124, %add3A_123, %select_n3A_111 : i32
      %eq3A_126 = arith.constant 2 : i32
      %eq3A_127 = arith.cmpi eq, %select_n3A_125, %eq3A_126 : i32
      %select_n3A_128 = arith.constant 0 : i32
      %select_n3A_129 = arith.select %eq3A_127, %select_n3A_128, %select_n3A_125 : i32
      %add3A_130 = arith.addi %select_n3A_129, %mul3A_6 : i32
      %add3A_131 = arith.constant 1 : i32
      %add3A_132 = arith.addi %select_n3A_129, %add3A_131 : i32
      %select_n3A_133 = arith.constant true
      %select_n3A_134 = arith.select %select_n3A_133, %add3A_132, %select_n3A_129 : i32
      %eq3A_135 = arith.constant 2 : i32
      %eq3A_136 = arith.cmpi eq, %select_n3A_134, %eq3A_135 : i32
      %select_n3A_137 = arith.constant 0 : i32
      %select_n3A_138 = arith.select %eq3A_136, %select_n3A_137, %select_n3A_134 : i32
      %add3A_139 = arith.addi %select_n3A_138, %mul3A_6 : i32
      tpu.yield
    }) : () -> ()
    return
  }
}

module attributes {stable_mosaic.version = 14 : i64} {
  func.func @_routing_kernel(%arg0: memref<2048x1024xf32, #tpu.memory_space<vmem>>, %arg1: memref<1024x8xf32, #tpu.memory_space<vmem>>, %arg2: memref<1x8xf32, #tpu.memory_space<vmem>>, %arg3: memref<2048x2xi32, #tpu.memory_space<vmem>>, %arg4: memref<2048x2xi32, #tpu.memory_space<vmem>>, %arg5: memref<2048x4xi32, #tpu.memory_space<vmem>>, %arg6: memref<2048x4xi32, #tpu.memory_space<vmem>>, %arg7: memref<2048x1xf32, #tpu.memory_space<vmem>>, %arg8: memref<2048x1xf32, #tpu.memory_space<vmem>>, %arg9: memref<1x24xi32, #tpu.memory_space<vmem>>, %arg10: memref<1x1xi32, #tpu.memory_space<vmem>>) attributes {dimension_semantics = [], scalar_prefetch = 0 : i64, scratch_operands = 0 : i64, tpu.core_type = #tpu.core_type<tc>} {
    %get3A = arith.constant 0 : index
    %get3A_0 = arith.constant 0 : index
    %get3A_1 = vector.load %arg0[%get3A, %get3A_0] : memref<2048x1024xf32, #tpu.memory_space<vmem>>, vector<2048x1024xf32>
    %convert_element_type3A = arith.truncf %get3A_1 : vector<2048x1024xf32> to vector<2048x1024xbf16>
    %get3A_2 = arith.constant 0 : index
    %get3A_3 = arith.constant 0 : index
    %get3A_4 = vector.load %arg1[%get3A_2, %get3A_3] : memref<1024x8xf32, #tpu.memory_space<vmem>>, vector<1024x8xf32>
    %convert_element_type3A_5 = arith.truncf %get3A_4 : vector<1024x8xf32> to vector<1024x8xbf16>
    %dot_general3A = arith.constant dense<0.000000e+00> : vector<2048x8xf32>
    %dot_general3A_6 = tpu.matmul %convert_element_type3A, %convert_element_type3A_5, %dot_general3A {dimension_numbers = #tpu.dot_dimension_numbers<[1], [0], [0], [1], [0, 0, 1, 1], [], []>, transpose_lhs_hint = false} : vector<2048x1024xbf16>, vector<1024x8xbf16>, vector<2048x8xf32> -> vector<2048x8xf32>
    %iota3A = tpu.iota {dimensions = array<i32: 1>} : vector<2048x8xi32>
    %reduce_max3A = arith.constant dense<0xFF800000> : vector<2048xf32>
    %reduce_max3A_7 = vector.multi_reduction <maximumf>, %dot_general3A_6, %reduce_max3A [1] : vector<2048x8xf32> to vector<2048xf32>
    %broadcast_in_dim3A = vector.shape_cast %reduce_max3A_7 : vector<2048xf32> to vector<2048x1xf32>
    %eq3A = vector.broadcast %broadcast_in_dim3A : vector<2048x1xf32> to vector<2048x8xf32>
    %eq3A_8 = arith.cmpf oeq, %dot_general3A_6, %eq3A : vector<2048x8xf32>
    %jit3A = arith.constant 8 : i32
    %broadcast_in_dim3A_9 = vector.broadcast %jit3A : i32 to vector<2048x8xi32>
    %select_n3A = arith.select %eq3A_8, %iota3A, %broadcast_in_dim3A_9 : vector<2048x8xi1>, vector<2048x8xi32>
    %reduce_min3A = arith.constant dense<2147483647> : vector<2048xi32>
    %reduce_min3A_10 = vector.multi_reduction <minsi>, %select_n3A, %reduce_min3A [1] : vector<2048x8xi32> to vector<2048xi32>
    %broadcast_in_dim3A_11 = vector.shape_cast %reduce_min3A_10 : vector<2048xi32> to vector<2048x1xi32>
    %eq3A_12 = vector.broadcast %broadcast_in_dim3A_11 : vector<2048x1xi32> to vector<2048x8xi32>
    %eq3A_13 = arith.cmpi eq, %iota3A, %eq3A_12 : vector<2048x8xi32>
    %jit3A_14 = arith.constant 0xFF800000 : f32
    %broadcast_in_dim3A_15 = vector.broadcast %jit3A_14 : f32 to vector<2048x8xf32>
    %select_n3A_16 = arith.select %eq3A_13, %broadcast_in_dim3A_15, %dot_general3A_6 : vector<2048x8xi1>, vector<2048x8xf32>
    %reduce_max3A_17 = arith.constant dense<0xFF800000> : vector<2048xf32>
    %reduce_max3A_18 = vector.multi_reduction <maximumf>, %select_n3A_16, %reduce_max3A_17 [1] : vector<2048x8xf32> to vector<2048xf32>
    %broadcast_in_dim3A_19 = vector.shape_cast %reduce_max3A_18 : vector<2048xf32> to vector<2048x1xf32>
    %eq3A_20 = vector.broadcast %broadcast_in_dim3A_19 : vector<2048x1xf32> to vector<2048x8xf32>
    %eq3A_21 = arith.cmpf oeq, %select_n3A_16, %eq3A_20 : vector<2048x8xf32>
    %jit3A_22 = arith.constant 8 : i32
    %broadcast_in_dim3A_23 = vector.broadcast %jit3A_22 : i32 to vector<2048x8xi32>
    %select_n3A_24 = arith.select %eq3A_21, %iota3A, %broadcast_in_dim3A_23 : vector<2048x8xi1>, vector<2048x8xi32>
    %reduce_min3A_25 = arith.constant dense<2147483647> : vector<2048xi32>
    %reduce_min3A_26 = vector.multi_reduction <minsi>, %select_n3A_24, %reduce_min3A_25 [1] : vector<2048x8xi32> to vector<2048xi32>
    %broadcast_in_dim3A_27 = vector.shape_cast %reduce_min3A_26 : vector<2048xi32> to vector<2048x1xi32>
    %sub3A = arith.subf %broadcast_in_dim3A_19, %broadcast_in_dim3A : vector<2048x1xf32>
    %exp3A = math.exp %sub3A : vector<2048x1xf32>
    %add3A = arith.constant 1.000000e+00 : f32
    %add3A_28 = vector.broadcast %add3A : f32 to vector<2048x1xf32>
    %add3A_29 = arith.addf %add3A_28, %exp3A : vector<2048x1xf32>
    %div3A = arith.constant 1.000000e+00 : f32
    %div3A_30 = vector.broadcast %div3A : f32 to vector<2048x1xf32>
    %div3A_31 = arith.divf %div3A_30, %add3A_29 : vector<2048x1xf32>
    %swap3A = arith.constant 0 : index
    %swap3A_32 = arith.constant 0 : index
    %swap3A_33 = vector.load %arg7[%swap3A, %swap3A_32] : memref<2048x1xf32, #tpu.memory_space<vmem>>, vector<2048x1xf32>
    tpu.vector_store %arg7[%swap3A, %swap3A_32], %div3A_31 {strides = array<i32>} : memref<2048x1xf32, #tpu.memory_space<vmem>>, vector<2048x1xf32>,
    %sub3A_34 = arith.constant 1.000000e+00 : f32
    %sub3A_35 = vector.broadcast %sub3A_34 : f32 to vector<2048x1xf32>
    %sub3A_36 = arith.subf %sub3A_35, %div3A_31 : vector<2048x1xf32>
    %swap3A_37 = arith.constant 0 : index
    %swap3A_38 = arith.constant 0 : index
    %swap3A_39 = vector.load %arg8[%swap3A_37, %swap3A_38] : memref<2048x1xf32, #tpu.memory_space<vmem>>, vector<2048x1xf32>
    tpu.vector_store %arg8[%swap3A_37, %swap3A_38], %sub3A_36 {strides = array<i32>} : memref<2048x1xf32, #tpu.memory_space<vmem>>, vector<2048x1xf32>,
    %eq3A_40 = vector.broadcast %broadcast_in_dim3A_11 : vector<2048x1xi32> to vector<2048x8xi32>
    %eq3A_41 = arith.cmpi eq, %iota3A, %eq3A_40 : vector<2048x8xi32>
    %eq3A_42 = vector.broadcast %broadcast_in_dim3A_27 : vector<2048x1xi32> to vector<2048x8xi32>
    %eq3A_43 = arith.cmpi eq, %iota3A, %eq3A_42 : vector<2048x8xi32>
    %or3A = arith.ori %eq3A_41, %eq3A_43 : vector<2048x8xi1>
    %jit3A_44 = arith.constant 1.000000e+00 : f32
    %jit3A_45 = arith.constant 0.000000e+00 : f32
    %broadcast_in_dim3A_46 = vector.broadcast %jit3A_44 : f32 to vector<2048x8xf32>
    %broadcast_in_dim3A_47 = vector.broadcast %jit3A_45 : f32 to vector<2048x8xf32>
    %select_n3A_48 = arith.select %or3A, %broadcast_in_dim3A_46, %broadcast_in_dim3A_47 : vector<2048x8xi1>, vector<2048x8xf32>
    %reduce_sum3A = arith.constant dense<0.000000e+00> : vector<8xf32>
    %reduce_sum3A_49 = vector.multi_reduction <add>, %select_n3A_48, %reduce_sum3A [0] : vector<2048x8xf32> to vector<8xf32>
    %broadcast_in_dim3A_50 = vector.shape_cast %reduce_sum3A_49 : vector<8xf32> to vector<1x8xf32>
    %swap3A_51 = arith.constant 0 : index
    %swap3A_52 = arith.constant 0 : index
    %swap3A_53 = vector.load %arg2[%swap3A_51, %swap3A_52] : memref<1x8xf32, #tpu.memory_space<vmem>>, vector<1x8xf32>
    tpu.vector_store %arg2[%swap3A_51, %swap3A_52], %broadcast_in_dim3A_50 {strides = array<i32>} : memref<1x8xf32, #tpu.memory_space<vmem>>, vector<1x8xf32>,
    %iota3A_54 = tpu.iota {dimensions = array<i32: 0>} : vector<2048x2048xi32>
    %iota3A_55 = tpu.iota {dimensions = array<i32: 1>} : vector<2048x2048xi32>
    %lt3A = arith.cmpi slt, %iota3A_55, %iota3A_54 : vector<2048x2048xi32>
    %jit3A_56 = arith.constant 1.000000e+00 : f32
    %jit3A_57 = arith.constant 0.000000e+00 : f32
    %broadcast_in_dim3A_58 = vector.broadcast %jit3A_56 : f32 to vector<2048x2048xf32>
    %broadcast_in_dim3A_59 = vector.broadcast %jit3A_57 : f32 to vector<2048x2048xf32>
    %select_n3A_60 = arith.select %lt3A, %broadcast_in_dim3A_58, %broadcast_in_dim3A_59 : vector<2048x2048xi1>, vector<2048x2048xf32>
    %convert_element_type3A_61 = arith.truncf %select_n3A_60 : vector<2048x2048xf32> to vector<2048x2048xbf16>
    %convert_element_type3A_62 = arith.truncf %select_n3A_48 : vector<2048x8xf32> to vector<2048x8xbf16>
    %dot_general3A_63 = arith.constant dense<0.000000e+00> : vector<2048x8xf32>
    %dot_general3A_64 = tpu.matmul %convert_element_type3A_61, %convert_element_type3A_62, %dot_general3A_63 {dimension_numbers = #tpu.dot_dimension_numbers<[1], [0], [0], [1], [0, 0, 1, 1], [], []>, transpose_lhs_hint = false} : vector<2048x2048xbf16>, vector<2048x8xbf16>, vector<2048x8xf32> -> vector<2048x8xf32>
    %broadcast_in_dim3A_65 = arith.constant 1.000000e+00 : bf16
    %broadcast_in_dim3A_66 = vector.broadcast %broadcast_in_dim3A_65 : bf16 to vector<2048x1xbf16>
    %convert_element_type3A_67 = arith.truncf %select_n3A_48 : vector<2048x8xf32> to vector<2048x8xbf16>
    %dot_general3A_68 = arith.constant dense<0.000000e+00> : vector<8x1xf32>
    %dot_general3A_69 = tpu.matmul %convert_element_type3A_67, %broadcast_in_dim3A_66, %dot_general3A_68 {dimension_numbers = #tpu.dot_dimension_numbers<[0], [0], [1], [1], [0, 1, 1, 1], [], []>, transpose_lhs_hint = false} : vector<2048x8xbf16>, vector<2048x1xbf16>, vector<8x1xf32> -> vector<8x1xf32>
    %convert_element_type3A_70 = arith.fptosi %dot_general3A_69 : vector<8x1xf32> to vector<8x1xi32>
    %add3A_71 = arith.constant 256 : i32
    %add3A_72 = vector.broadcast %add3A_71 : i32 to vector<8x1xi32>
    %add3A_73 = arith.addi %convert_element_type3A_70, %add3A_72 : vector<8x1xi32>
    %sub3A_74 = arith.constant 1 : i32
    %sub3A_75 = vector.broadcast %sub3A_74 : i32 to vector<8x1xi32>
    %sub3A_76 = arith.subi %add3A_73, %sub3A_75 : vector<8x1xi32>
    %jit3A_77 = arith.constant 256 : i32
    %div3A_78 = vector.broadcast %jit3A_77 : i32 to vector<8x1xi32>
    %div3A_79 = arith.divsi %sub3A_76, %div3A_78 : vector<8x1xi32>
    %sign3A = arith.constant 0 : i32
    %sign3A_80 = vector.broadcast %sign3A : i32 to vector<8x1xi32>
    %sign3A_81 = arith.cmpi sgt, %sub3A_76, %sign3A_80 : vector<8x1xi32>
    %sign3A_82 = arith.extui %sign3A_81 : vector<8x1xi1> to vector<8x1xi32>
    %sign3A_83 = arith.constant 0 : i32
    %sign3A_84 = vector.broadcast %sign3A_83 : i32 to vector<8x1xi32>
    %sign3A_85 = arith.cmpi slt, %sub3A_76, %sign3A_84 : vector<8x1xi32>
    %sign3A_86 = arith.extui %sign3A_85 : vector<8x1xi1> to vector<8x1xi32>
    %sign3A_87 = arith.subi %sign3A_82, %sign3A_86 : vector<8x1xi32>
    %sign3A_88 = arith.constant 0 : i32
    %sign3A_89 = arith.cmpi sgt, %jit3A_77, %sign3A_88 : i32
    %sign3A_90 = arith.extui %sign3A_89 : i1 to i32
    %sign3A_91 = arith.constant 0 : i32
    %sign3A_92 = arith.cmpi slt, %jit3A_77, %sign3A_91 : i32
    %sign3A_93 = arith.extui %sign3A_92 : i1 to i32
    %sign3A_94 = arith.subi %sign3A_90, %sign3A_93 : i32
    %ne3A = vector.broadcast %sign3A_94 : i32 to vector<8x1xi32>
    %ne3A_95 = arith.cmpi ne, %sign3A_87, %ne3A : vector<8x1xi32>
    %rem3A = vector.broadcast %jit3A_77 : i32 to vector<8x1xi32>
    %rem3A_96 = arith.remsi %sub3A_76, %rem3A : vector<8x1xi32>
    %ne3A_97 = arith.constant 0 : i32
    %ne3A_98 = vector.broadcast %ne3A_97 : i32 to vector<8x1xi32>
    %ne3A_99 = arith.cmpi ne, %rem3A_96, %ne3A_98 : vector<8x1xi32>
    %and3A = arith.andi %ne3A_95, %ne3A_99 : vector<8x1xi1>
    %sub3A_100 = arith.constant 1 : i32
    %sub3A_101 = vector.broadcast %sub3A_100 : i32 to vector<8x1xi32>
    %sub3A_102 = arith.subi %div3A_79, %sub3A_101 : vector<8x1xi32>
    %select_n3A_103 = arith.select %and3A, %sub3A_102, %div3A_79 : vector<8x1xi1>, vector<8x1xi32>
    %mul3A = arith.constant 256 : i32
    %mul3A_104 = vector.broadcast %mul3A : i32 to vector<8x1xi32>
    %mul3A_105 = arith.muli %select_n3A_103, %mul3A_104 : vector<8x1xi32>
    %convert_element_type3A_106 = arith.sitofp %mul3A_105 : vector<8x1xi32> to vector<8x1xf32>
    %iota3A_107 = tpu.iota {dimensions = array<i32: 0>} : vector<8x8xi32>
    %iota3A_108 = tpu.iota {dimensions = array<i32: 1>} : vector<8x8xi32>
    %lt3A_109 = arith.cmpi slt, %iota3A_108, %iota3A_107 : vector<8x8xi32>
    %jit3A_110 = arith.constant 1.000000e+00 : f32
    %jit3A_111 = arith.constant 0.000000e+00 : f32
    %broadcast_in_dim3A_112 = vector.broadcast %jit3A_110 : f32 to vector<8x8xf32>
    %broadcast_in_dim3A_113 = vector.broadcast %jit3A_111 : f32 to vector<8x8xf32>
    %select_n3A_114 = arith.select %lt3A_109, %broadcast_in_dim3A_112, %broadcast_in_dim3A_113 : vector<8x8xi1>, vector<8x8xf32>
    %convert_element_type3A_115 = arith.truncf %select_n3A_114 : vector<8x8xf32> to vector<8x8xbf16>
    %convert_element_type3A_116 = arith.truncf %convert_element_type3A_106 : vector<8x1xf32> to vector<8x1xbf16>
    %dot_general3A_117 = arith.constant dense<0.000000e+00> : vector<8x1xf32>
    %dot_general3A_118 = tpu.matmul %convert_element_type3A_115, %convert_element_type3A_116, %dot_general3A_117 {dimension_numbers = #tpu.dot_dimension_numbers<[1], [0], [0], [1], [0, 0, 1, 1], [], []>, transpose_lhs_hint = false} : vector<8x8xbf16>, vector<8x1xbf16>, vector<8x1xf32> -> vector<8x1xf32>
    %add3A_119 = arith.addf %dot_general3A_118, %convert_element_type3A_106 : vector<8x1xf32>
    %iota3A_120 = tpu.iota {dimensions = array<i32: 1>} : vector<8x24xi32>
    %mul3A_121 = arith.constant 256 : i32
    %mul3A_122 = vector.broadcast %mul3A_121 : i32 to vector<8x24xi32>
    %mul3A_123 = arith.muli %iota3A_120, %mul3A_122 : vector<8x24xi32>
    %convert_element_type3A_124 = arith.sitofp %mul3A_123 : vector<8x24xi32> to vector<8x24xf32>
    %le3A = vector.broadcast %add3A_119 : vector<8x1xf32> to vector<8x24xf32>
    %le3A_125 = arith.cmpf ole, %le3A, %convert_element_type3A_124 : vector<8x24xf32>
    %jit3A_126 = arith.constant 1.000000e+00 : f32
    %jit3A_127 = arith.constant 0.000000e+00 : f32
    %broadcast_in_dim3A_128 = vector.broadcast %jit3A_126 : f32 to vector<8x24xf32>
    %broadcast_in_dim3A_129 = vector.broadcast %jit3A_127 : f32 to vector<8x24xf32>
    %select_n3A_130 = arith.select %le3A_125, %broadcast_in_dim3A_128, %broadcast_in_dim3A_129 : vector<8x24xi1>, vector<8x24xf32>
    %reduce_sum3A_131 = arith.constant dense<0.000000e+00> : vector<24xf32>
    %reduce_sum3A_132 = vector.multi_reduction <add>, %select_n3A_130, %reduce_sum3A_131 [0] : vector<8x24xf32> to vector<24xf32>
    %broadcast_in_dim3A_133 = vector.shape_cast %reduce_sum3A_132 : vector<24xf32> to vector<1x24xf32>
    %min3A = arith.constant 7.000000e+00 : f32
    %min3A_134 = vector.broadcast %min3A : f32 to vector<1x24xf32>
    %min3A_135 = arith.minimumf %broadcast_in_dim3A_133, %min3A_134 : vector<1x24xf32>
    %convert_element_type3A_136 = arith.fptosi %min3A_135 : vector<1x24xf32> to vector<1x24xi32>
    %swap3A_137 = arith.constant 0 : index
    %swap3A_138 = arith.constant 0 : index
    %swap3A_139 = vector.load %arg9[%swap3A_137, %swap3A_138] : memref<1x24xi32, #tpu.memory_space<vmem>>, vector<1x24xi32>
    tpu.vector_store %arg9[%swap3A_137, %swap3A_138], %convert_element_type3A_136 {strides = array<i32>} : memref<1x24xi32, #tpu.memory_space<vmem>>, vector<1x24xi32>,
    %iota3A_140 = tpu.iota {dimensions = array<i32: 0>} : vector<8x1xi32>
    %eq3A_141 = arith.constant 7 : i32
    %eq3A_142 = vector.broadcast %eq3A_141 : i32 to vector<8x1xi32>
    %eq3A_143 = arith.cmpi eq, %iota3A_140, %eq3A_142 : vector<8x1xi32>
    %jit3A_144 = arith.constant 0.000000e+00 : f32
    %broadcast_in_dim3A_145 = vector.broadcast %jit3A_144 : f32 to vector<8x1xf32>
    %select_n3A_146 = arith.select %eq3A_143, %add3A_119, %broadcast_in_dim3A_145 : vector<8x1xi1>, vector<8x1xf32>
    %reduce_sum3A_147 = arith.constant dense<0.000000e+00> : vector<1xf32>
    %reduce_sum3A_148 = vector.multi_reduction <add>, %select_n3A_146, %reduce_sum3A_147 [0] : vector<8x1xf32> to vector<1xf32>
    %broadcast_in_dim3A_149 = vector.shape_cast %reduce_sum3A_148 : vector<1xf32> to vector<1x1xf32>
    %div3A_150 = arith.constant 2.560000e+02 : f32
    %div3A_151 = vector.broadcast %div3A_150 : f32 to vector<1x1xf32>
    %div3A_152 = arith.divf %broadcast_in_dim3A_149, %div3A_151 : vector<1x1xf32>
    %convert_element_type3A_153 = arith.fptosi %div3A_152 : vector<1x1xf32> to vector<1x1xi32>
    %swap3A_154 = arith.constant 0 : index
    %swap3A_155 = arith.constant 0 : index
    %swap3A_156 = vector.load %arg10[%swap3A_154, %swap3A_155] : memref<1x1xi32, #tpu.memory_space<vmem>>, vector<1x1xi32>
    tpu.vector_store %arg10[%swap3A_154, %swap3A_155], %convert_element_type3A_153 {strides = array<i32>} : memref<1x1xi32, #tpu.memory_space<vmem>>, vector<1x1xi32>,
    %get3A_157 = arith.constant 0 : index
    %get3A_158 = arith.constant 0 : index
    %get3A_159 = vector.load %arg2[%get3A_157, %get3A_158] : memref<1x8xf32, #tpu.memory_space<vmem>>, vector<1x8xf32>
    %convert_element_type3A_160 = arith.fptosi %get3A_159 : vector<1x8xf32> to vector<1x8xi32>
    %add3A_161 = arith.constant 256 : i32
    %add3A_162 = vector.broadcast %add3A_161 : i32 to vector<1x8xi32>
    %add3A_163 = arith.addi %convert_element_type3A_160, %add3A_162 : vector<1x8xi32>
    %sub3A_164 = arith.constant 1 : i32
    %sub3A_165 = vector.broadcast %sub3A_164 : i32 to vector<1x8xi32>
    %sub3A_166 = arith.subi %add3A_163, %sub3A_165 : vector<1x8xi32>
    %jit3A_167 = arith.constant 256 : i32
    %div3A_168 = vector.broadcast %jit3A_167 : i32 to vector<1x8xi32>
    %div3A_169 = arith.divsi %sub3A_166, %div3A_168 : vector<1x8xi32>
    %sign3A_170 = arith.constant 0 : i32
    %sign3A_171 = vector.broadcast %sign3A_170 : i32 to vector<1x8xi32>
    %sign3A_172 = arith.cmpi sgt, %sub3A_166, %sign3A_171 : vector<1x8xi32>
    %sign3A_173 = arith.extui %sign3A_172 : vector<1x8xi1> to vector<1x8xi32>
    %sign3A_174 = arith.constant 0 : i32
    %sign3A_175 = vector.broadcast %sign3A_174 : i32 to vector<1x8xi32>
    %sign3A_176 = arith.cmpi slt, %sub3A_166, %sign3A_175 : vector<1x8xi32>
    %sign3A_177 = arith.extui %sign3A_176 : vector<1x8xi1> to vector<1x8xi32>
    %sign3A_178 = arith.subi %sign3A_173, %sign3A_177 : vector<1x8xi32>
    %sign3A_179 = arith.constant 0 : i32
    %sign3A_180 = arith.cmpi sgt, %jit3A_167, %sign3A_179 : i32
    %sign3A_181 = arith.extui %sign3A_180 : i1 to i32
    %sign3A_182 = arith.constant 0 : i32
    %sign3A_183 = arith.cmpi slt, %jit3A_167, %sign3A_182 : i32
    %sign3A_184 = arith.extui %sign3A_183 : i1 to i32
    %sign3A_185 = arith.subi %sign3A_181, %sign3A_184 : i32
    %ne3A_186 = vector.broadcast %sign3A_185 : i32 to vector<1x8xi32>
    %ne3A_187 = arith.cmpi ne, %sign3A_178, %ne3A_186 : vector<1x8xi32>
    %rem3A_188 = vector.broadcast %jit3A_167 : i32 to vector<1x8xi32>
    %rem3A_189 = arith.remsi %sub3A_166, %rem3A_188 : vector<1x8xi32>
    %ne3A_190 = arith.constant 0 : i32
    %ne3A_191 = vector.broadcast %ne3A_190 : i32 to vector<1x8xi32>
    %ne3A_192 = arith.cmpi ne, %rem3A_189, %ne3A_191 : vector<1x8xi32>
    %and3A_193 = arith.andi %ne3A_187, %ne3A_192 : vector<1x8xi1>
    %sub3A_194 = arith.constant 1 : i32
    %sub3A_195 = vector.broadcast %sub3A_194 : i32 to vector<1x8xi32>
    %sub3A_196 = arith.subi %div3A_169, %sub3A_195 : vector<1x8xi32>
    %select_n3A_197 = arith.select %and3A_193, %sub3A_196, %div3A_169 : vector<1x8xi1>, vector<1x8xi32>
    %mul3A_198 = arith.constant 256 : i32
    %mul3A_199 = vector.broadcast %mul3A_198 : i32 to vector<1x8xi32>
    %mul3A_200 = arith.muli %select_n3A_197, %mul3A_199 : vector<1x8xi32>
    %convert_element_type3A_201 = arith.sitofp %mul3A_200 : vector<1x8xi32> to vector<1x8xf32>
    %lt3A_202 = arith.cmpi slt, %iota3A_107, %iota3A_108 : vector<8x8xi32>
    %jit3A_203 = arith.constant 1.000000e+00 : f32
    %jit3A_204 = arith.constant 0.000000e+00 : f32
    %broadcast_in_dim3A_205 = vector.broadcast %jit3A_203 : f32 to vector<8x8xf32>
    %broadcast_in_dim3A_206 = vector.broadcast %jit3A_204 : f32 to vector<8x8xf32>
    %select_n3A_207 = arith.select %lt3A_202, %broadcast_in_dim3A_205, %broadcast_in_dim3A_206 : vector<8x8xi1>, vector<8x8xf32>
    %convert_element_type3A_208 = arith.truncf %select_n3A_207 : vector<8x8xf32> to vector<8x8xbf16>
    %convert_element_type3A_209 = arith.truncf %convert_element_type3A_201 : vector<1x8xf32> to vector<1x8xbf16>
    %dot_general3A_210 = arith.constant dense<0.000000e+00> : vector<1x8xf32>
    %dot_general3A_211 = tpu.matmul %convert_element_type3A_209, %convert_element_type3A_208, %dot_general3A_210 {dimension_numbers = #tpu.dot_dimension_numbers<[1], [0], [0], [1], [0, 0, 1, 1], [], []>, transpose_lhs_hint = false} : vector<1x8xbf16>, vector<8x8xbf16>, vector<1x8xf32> -> vector<1x8xf32>
    %add3A_212 = vector.broadcast %dot_general3A_211 : vector<1x8xf32> to vector<2048x8xf32>
    %add3A_213 = arith.addf %add3A_212, %dot_general3A_64 : vector<2048x8xf32>
    %jit3A_214 = arith.constant 0.000000e+00 : f32
    %broadcast_in_dim3A_215 = vector.broadcast %jit3A_214 : f32 to vector<2048x8xf32>
    %select_n3A_216 = arith.select %eq3A_41, %add3A_213, %broadcast_in_dim3A_215 : vector<2048x8xi1>, vector<2048x8xf32>
    %reduce_sum3A_217 = arith.constant dense<0.000000e+00> : vector<2048xf32>
    %reduce_sum3A_218 = vector.multi_reduction <add>, %select_n3A_216, %reduce_sum3A_217 [1] : vector<2048x8xf32> to vector<2048xf32>
    %broadcast_in_dim3A_219 = vector.shape_cast %reduce_sum3A_218 : vector<2048xf32> to vector<2048x1xf32>
    %convert_element_type3A_220 = arith.fptosi %broadcast_in_dim3A_219 : vector<2048x1xf32> to vector<2048x1xi32>
    %jit3A_221 = arith.constant 0.000000e+00 : f32
    %broadcast_in_dim3A_222 = vector.broadcast %jit3A_221 : f32 to vector<2048x8xf32>
    %select_n3A_223 = arith.select %eq3A_43, %add3A_213, %broadcast_in_dim3A_222 : vector<2048x8xi1>, vector<2048x8xf32>
    %reduce_sum3A_224 = arith.constant dense<0.000000e+00> : vector<2048xf32>
    %reduce_sum3A_225 = vector.multi_reduction <add>, %select_n3A_223, %reduce_sum3A_224 [1] : vector<2048x8xf32> to vector<2048xf32>
    %broadcast_in_dim3A_226 = vector.shape_cast %reduce_sum3A_225 : vector<2048xf32> to vector<2048x1xf32>
    %convert_element_type3A_227 = arith.fptosi %broadcast_in_dim3A_226 : vector<2048x1xf32> to vector<2048x1xi32>
    %iota3A_228 = tpu.iota {dimensions = array<i32: 1>} : vector<2048x2xi32>
    %mul3A_229 = arith.constant 2 : i32
    %mul3A_230 = vector.broadcast %mul3A_229 : i32 to vector<2048x1xi32>
    %mul3A_231 = arith.muli %convert_element_type3A_220, %mul3A_230 : vector<2048x1xi32>
    %add3A_232 = vector.broadcast %mul3A_231 : vector<2048x1xi32> to vector<2048x2xi32>
    %add3A_233 = arith.addi %add3A_232, %iota3A_228 : vector<2048x2xi32>
    %swap3A_234 = arith.constant 0 : index
    %swap3A_235 = arith.constant 0 : index
    %swap3A_236 = vector.load %arg3[%swap3A_234, %swap3A_235] : memref<2048x2xi32, #tpu.memory_space<vmem>>, vector<2048x2xi32>
    tpu.vector_store %arg3[%swap3A_234, %swap3A_235], %add3A_233 {strides = array<i32>} : memref<2048x2xi32, #tpu.memory_space<vmem>>, vector<2048x2xi32>,
    %mul3A_237 = arith.constant 2 : i32
    %mul3A_238 = vector.broadcast %mul3A_237 : i32 to vector<2048x1xi32>
    %mul3A_239 = arith.muli %convert_element_type3A_227, %mul3A_238 : vector<2048x1xi32>
    %add3A_240 = vector.broadcast %mul3A_239 : vector<2048x1xi32> to vector<2048x2xi32>
    %add3A_241 = arith.addi %add3A_240, %iota3A_228 : vector<2048x2xi32>
    %swap3A_242 = arith.constant 0 : index
    %swap3A_243 = arith.constant 0 : index
    %swap3A_244 = vector.load %arg4[%swap3A_242, %swap3A_243] : memref<2048x2xi32, #tpu.memory_space<vmem>>, vector<2048x2xi32>
    tpu.vector_store %arg4[%swap3A_242, %swap3A_243], %add3A_241 {strides = array<i32>} : memref<2048x2xi32, #tpu.memory_space<vmem>>, vector<2048x2xi32>,
    %iota3A_245 = tpu.iota {dimensions = array<i32: 1>} : vector<2048x4xi32>
    %mul3A_246 = arith.constant 4 : i32
    %mul3A_247 = vector.broadcast %mul3A_246 : i32 to vector<2048x1xi32>
    %mul3A_248 = arith.muli %convert_element_type3A_220, %mul3A_247 : vector<2048x1xi32>
    %add3A_249 = vector.broadcast %mul3A_248 : vector<2048x1xi32> to vector<2048x4xi32>
    %add3A_250 = arith.addi %add3A_249, %iota3A_245 : vector<2048x4xi32>
    %swap3A_251 = arith.constant 0 : index
    %swap3A_252 = arith.constant 0 : index
    %swap3A_253 = vector.load %arg5[%swap3A_251, %swap3A_252] : memref<2048x4xi32, #tpu.memory_space<vmem>>, vector<2048x4xi32>
    tpu.vector_store %arg5[%swap3A_251, %swap3A_252], %add3A_250 {strides = array<i32>} : memref<2048x4xi32, #tpu.memory_space<vmem>>, vector<2048x4xi32>,
    %mul3A_254 = arith.constant 4 : i32
    %mul3A_255 = vector.broadcast %mul3A_254 : i32 to vector<2048x1xi32>
    %mul3A_256 = arith.muli %convert_element_type3A_227, %mul3A_255 : vector<2048x1xi32>
    %add3A_257 = vector.broadcast %mul3A_256 : vector<2048x1xi32> to vector<2048x4xi32>
    %add3A_258 = arith.addi %add3A_257, %iota3A_245 : vector<2048x4xi32>
    %swap3A_259 = arith.constant 0 : index
    %swap3A_260 = arith.constant 0 : index
    %swap3A_261 = vector.load %arg6[%swap3A_259, %swap3A_260] : memref<2048x4xi32, #tpu.memory_space<vmem>>, vector<2048x4xi32>
    tpu.vector_store %arg6[%swap3A_259, %swap3A_260], %add3A_258 {strides = array<i32>} : memref<2048x4xi32, #tpu.memory_space<vmem>>, vector<2048x4xi32>,
    return
  }
}

module attributes {stable_mosaic.version = 14 : i64} {
  func.func @_grouped_kernel(%arg0: i32, %arg1: memref<24xi32, #tpu.memory_space<smem>>, %arg2: memref<1xi32, #tpu.memory_space<smem>>, %arg3: memref<256x1024xbf16, #tpu.memory_space<vmem>>, %arg4: memref<1x1024x2048xbf16, #tpu.memory_space<vmem>>, %arg5: memref<1x2048x1024xbf16, #tpu.memory_space<vmem>>, %arg6: memref<256x1024xf32, #tpu.memory_space<vmem>>) attributes {dimension_semantics = [#tpu.dimension_semantics<arbitrary>], iteration_bounds = array<i64: 24>, scalar_prefetch = 2 : i64, scratch_operands = 0 : i64, tpu.core_type = #tpu.core_type<tc>, window_params = [{transform_indices = @transform_0, window_bounds = array<i64: 256, 1024>}, {transform_indices = @transform_1, window_bounds = array<i64: 1, 1024, 2048>}, {transform_indices = @transform_2, window_bounds = array<i64: 1, 2048, 1024>}, {transform_indices = @transform_3, window_bounds = array<i64: 256, 1024>}]} {
    %get3A = arith.constant 0 : index
    %get3A_0 = memref.load %arg2[%get3A] : memref<1xi32, #tpu.memory_space<smem>>
    %lt3A = arith.cmpi slt, %arg0, %get3A_0 : i32
    %convert_element_type3A = arith.extui %lt3A : i1 to i32
    %cond3A = arith.constant 0 : i32
    %cond3A_1 = arith.cmpi ne, %convert_element_type3A, %cond3A : i32
    scf.if %cond3A_1 {
      %get3A_2 = arith.constant 0 : index
      %get3A_3 = arith.constant 0 : index
      %get3A_4 = vector.load %arg3[%get3A_2, %get3A_3] : memref<256x1024xbf16, #tpu.memory_space<vmem>>, vector<256x1024xbf16>
      %get3A_5 = arith.constant 0 : index
      %get3A_6 = arith.constant 0 : index
      %get3A_7 = arith.constant 0 : index
      %get3A_8 = vector.load %arg4[%get3A_5, %get3A_6, %get3A_7] : memref<1x1024x2048xbf16, #tpu.memory_space<vmem>>, vector<1x1024x2048xbf16>
      %get3A_9 = vector.shape_cast %get3A_8 : vector<1x1024x2048xbf16> to vector<1024x2048xbf16>
      %dot_general3A = arith.constant dense<0.000000e+00> : vector<256x2048xf32>
      %dot_general3A_10 = tpu.matmul %get3A_4, %get3A_9, %dot_general3A {dimension_numbers = #tpu.dot_dimension_numbers<[1], [0], [0], [1], [0, 0, 1, 1], [], []>, transpose_lhs_hint = false} : vector<256x1024xbf16>, vector<1024x2048xbf16>, vector<256x2048xf32> -> vector<256x2048xf32>
      %logistic3A = arith.negf %dot_general3A_10 : vector<256x2048xf32>
      %logistic3A_11 = math.exp %logistic3A : vector<256x2048xf32>
      %logistic3A_12 = arith.constant 1.000000e+00 : f32
      %logistic3A_13 = vector.broadcast %logistic3A_12 : f32 to vector<256x2048xf32>
      %logistic3A_14 = arith.addf %logistic3A_13, %logistic3A_11 : vector<256x2048xf32>
      %logistic3A_15 = arith.divf %logistic3A_13, %logistic3A_14 : vector<256x2048xf32>
      %mul3A = arith.mulf %dot_general3A_10, %logistic3A_15 : vector<256x2048xf32>
      %convert_element_type3A_16 = arith.truncf %mul3A : vector<256x2048xf32> to vector<256x2048xbf16>
      %get3A_17 = arith.constant 0 : index
      %get3A_18 = arith.constant 0 : index
      %get3A_19 = arith.constant 0 : index
      %get3A_20 = vector.load %arg5[%get3A_17, %get3A_18, %get3A_19] : memref<1x2048x1024xbf16, #tpu.memory_space<vmem>>, vector<1x2048x1024xbf16>
      %get3A_21 = vector.shape_cast %get3A_20 : vector<1x2048x1024xbf16> to vector<2048x1024xbf16>
      %dot_general3A_22 = arith.constant dense<0.000000e+00> : vector<256x1024xf32>
      %dot_general3A_23 = tpu.matmul %convert_element_type3A_16, %get3A_21, %dot_general3A_22 {dimension_numbers = #tpu.dot_dimension_numbers<[1], [0], [0], [1], [0, 0, 1, 1], [], []>, transpose_lhs_hint = false} : vector<256x2048xbf16>, vector<2048x1024xbf16>, vector<256x1024xf32> -> vector<256x1024xf32>
      %swap3A = arith.constant 0 : index
      %swap3A_24 = arith.constant 0 : index
      %swap3A_25 = vector.load %arg6[%swap3A, %swap3A_24] : memref<256x1024xf32, #tpu.memory_space<vmem>>, vector<256x1024xf32>
      tpu.vector_store %arg6[%swap3A, %swap3A_24], %dot_general3A_23 {strides = array<i32>} : memref<256x1024xf32, #tpu.memory_space<vmem>>, vector<256x1024xf32>,
    } else {
    }
    return
  }
  func.func @transform_0(%arg0: i32, %arg1: memref<24xi32, #tpu.memory_space<smem>>, %arg2: memref<1xi32, #tpu.memory_space<smem>>) -> (i32, i32) {
    %c0_i32 = arith.constant 0 : i32
    %c0_i32_0 = arith.constant 0 : i32
    return %arg0, %c0_i32 : i32, i32
  }
  func.func @transform_1(%arg0: i32, %arg1: memref<24xi32, #tpu.memory_space<smem>>, %arg2: memref<1xi32, #tpu.memory_space<smem>>) -> (i32, i32, i32) {
    %get3A = arith.index_cast %arg0 : i32 to index
    %get3A_0 = memref.load %arg1[%get3A] : memref<24xi32, #tpu.memory_space<smem>>
    %c0_i32 = arith.constant 0 : i32
    %c0_i32_1 = arith.constant 0 : i32
    %c0_i32_2 = arith.constant 0 : i32
    return %get3A_0, %c0_i32, %c0_i32_1 : i32, i32, i32
  }
  func.func @transform_2(%arg0: i32, %arg1: memref<24xi32, #tpu.memory_space<smem>>, %arg2: memref<1xi32, #tpu.memory_space<smem>>) -> (i32, i32, i32) {
    %get3A = arith.index_cast %arg0 : i32 to index
    %get3A_0 = memref.load %arg1[%get3A] : memref<24xi32, #tpu.memory_space<smem>>
    %c0_i32 = arith.constant 0 : i32
    %c0_i32_1 = arith.constant 0 : i32
    %c0_i32_2 = arith.constant 0 : i32
    return %get3A_0, %c0_i32, %c0_i32_1 : i32, i32, i32
  }
  func.func @transform_3(%arg0: i32, %arg1: memref<24xi32, #tpu.memory_space<smem>>, %arg2: memref<1xi32, #tpu.memory_space<smem>>) -> (i32, i32) {
    %c0_i32 = arith.constant 0 : i32
    %c0_i32_0 = arith.constant 0 : i32
    return %arg0, %c0_i32 : i32, i32
  }
}

module attributes {stable_mosaic.version = 14 : i64} {
  func.func @_combine_kernel(%arg0: i32, %arg1: memref<256x1024xf32, #tpu.memory_space<vmem>>, %arg2: memref<256x1024xf32, #tpu.memory_space<vmem>>, %arg3: memref<256x1xf32, #tpu.memory_space<vmem>>, %arg4: memref<256x1xf32, #tpu.memory_space<vmem>>, %arg5: memref<256x1024xf32, #tpu.memory_space<vmem>>) attributes {dimension_semantics = [#tpu.dimension_semantics<arbitrary>], iteration_bounds = array<i64: 8>, scalar_prefetch = 0 : i64, scratch_operands = 0 : i64, tpu.core_type = #tpu.core_type<tc>, window_params = [{transform_indices = @transform_0, window_bounds = array<i64: 256, 1024>}, {transform_indices = @transform_1, window_bounds = array<i64: 256, 1024>}, {transform_indices = @transform_2, window_bounds = array<i64: 256, 1>}, {transform_indices = @transform_3, window_bounds = array<i64: 256, 1>}, {transform_indices = @transform_4, window_bounds = array<i64: 256, 1024>}]} {
    %get3A = arith.constant 0 : index
    %get3A_0 = arith.constant 0 : index
    %get3A_1 = vector.load %arg3[%get3A, %get3A_0] : memref<256x1xf32, #tpu.memory_space<vmem>>, vector<256x1xf32>
    %get3A_2 = arith.constant 0 : index
    %get3A_3 = arith.constant 0 : index
    %get3A_4 = vector.load %arg1[%get3A_2, %get3A_3] : memref<256x1024xf32, #tpu.memory_space<vmem>>, vector<256x1024xf32>
    %mul3A = vector.broadcast %get3A_1 : vector<256x1xf32> to vector<256x1024xf32>
    %mul3A_5 = arith.mulf %mul3A, %get3A_4 : vector<256x1024xf32>
    %get3A_6 = arith.constant 0 : index
    %get3A_7 = arith.constant 0 : index
    %get3A_8 = vector.load %arg4[%get3A_6, %get3A_7] : memref<256x1xf32, #tpu.memory_space<vmem>>, vector<256x1xf32>
    %get3A_9 = arith.constant 0 : index
    %get3A_10 = arith.constant 0 : index
    %get3A_11 = vector.load %arg2[%get3A_9, %get3A_10] : memref<256x1024xf32, #tpu.memory_space<vmem>>, vector<256x1024xf32>
    %mul3A_12 = vector.broadcast %get3A_8 : vector<256x1xf32> to vector<256x1024xf32>
    %mul3A_13 = arith.mulf %mul3A_12, %get3A_11 : vector<256x1024xf32>
    %add3A = arith.addf %mul3A_5, %mul3A_13 : vector<256x1024xf32>
    %swap3A = arith.constant 0 : index
    %swap3A_14 = arith.constant 0 : index
    %swap3A_15 = vector.load %arg5[%swap3A, %swap3A_14] : memref<256x1024xf32, #tpu.memory_space<vmem>>, vector<256x1024xf32>
    tpu.vector_store %arg5[%swap3A, %swap3A_14], %add3A {strides = array<i32>} : memref<256x1024xf32, #tpu.memory_space<vmem>>, vector<256x1024xf32>,
    return
  }
  func.func @transform_0(%arg0: i32) -> (i32, i32) {
    %c0_i32 = arith.constant 0 : i32
    %c0_i32_0 = arith.constant 0 : i32
    return %arg0, %c0_i32 : i32, i32
  }
  func.func @transform_1(%arg0: i32) -> (i32, i32) {
    %add3A = arith.constant 8 : i32
    %add3A_0 = arith.addi %arg0, %add3A : i32
    %c0_i32 = arith.constant 0 : i32
    %c0_i32_1 = arith.constant 0 : i32
    return %add3A_0, %c0_i32 : i32, i32
  }
  func.func @transform_2(%arg0: i32) -> (i32, i32) {
    %c0_i32 = arith.constant 0 : i32
    %c0_i32_0 = arith.constant 0 : i32
    return %arg0, %c0_i32 : i32, i32
  }
  func.func @transform_3(%arg0: i32) -> (i32, i32) {
    %c0_i32 = arith.constant 0 : i32
    %c0_i32_0 = arith.constant 0 : i32
    return %arg0, %c0_i32 : i32, i32
  }
  func.func @transform_4(%arg0: i32) -> (i32, i32) {
    %c0_i32 = arith.constant 0 : i32
    %c0_i32_0 = arith.constant 0 : i32
    return %arg0, %c0_i32 : i32, i32
  }
}

</mosaic_0001>

<sc_bundles>
// kernel: kernel.10.cloned.1.call-start
scs
__scs_entry_jumppad:
0x0: {  	(pc) =	sbr.rel $0x88, $3  }
0x1: {  	(tag) =	ssettag $0x0;
	lr =	simm.s32 $0x1  }
0x2: {  	[smem:$0x3F9D] =	sst lr;
	_ =	strace $0xD0000000  }
0x3: {  	_ = 	snop  }
0x4: {  	_ = 	snop  }
0x5: {  	_ = 	snop  }
0x6: {  	_ = 	snop  }
0x7: {  	_ = 	snop  }
__scs_overlays_trampoline_lowered:
0x8: {  	[smem:$0x3FAC] =	sst s0  }
0x9: {  	[smem:$0x3FAD] =	sst s1  }
0xa: {  	[smem:$0x3FAE] =	sst s2  }
0xb: {  	[smem:$0x3FAF] =	sst s3  }
0xc: {  	[smem:$0x3FB0] =	sst s4  }
0xd: {  	[smem:$0x3FB1] =	sst s5  }
0xe: {  	[smem:$0x3FB2] =	sst s6  }
0xf: {  	[smem:$0x3FB3] =	sst s7  }
0x10: {  	[smem:$0x3FB4] =	sst s8  }
0x11: {  	[smem:$0x3FB5] =	sst s9;
	s0 =	simm.s32 @!p0 $0x0  }
0x12: {  	s1 =	sld [smem:$0x3F9B];
	s0 =	simm.s32 @p0 $0x1  }
0x13: {  	[smem:$0x3FB6] =	sst s0;
	s0 =	simm.s32 @!p1 $0x0  }
0x14: {  	s2 =	sld [smem:$0x3F9A];
	s0 =	simm.s32 @p1 $0x1  }
0x15: {  	[smem:$0x3FB7] =	sst s0;
	s0 =	simm.s32 @!p2 $0x0  }
0x16: {  	s3 =	sld [smem:$0x3FDB];
	s0 =	simm.s32 @p2 $0x1  }
0x17: {  	s4 =	simm.s32 $0x1BF5;
	[smem:$0x3FB9] =	sst s0  }
0x18: {  	s0 =	sld [smem:$0x3F9C];
	_ =	swait.ge [sflag:s4], $0x0  }
0x19: {  	s7 =	sld [smem:$0x3F9D]  }
0x1a: {  	s8 =	sadd.s32 $0xFFFFE003, lr  }
0x1b: {  	s9 =	sadd.s32 $0xFFFFFEF7, lr;
	s5 =	simm.s32 $0xFFFFFFFF;
	p2 =	slt.u32 s8, $0xFFFFF086  }
0x1c: {  	p1 =	slt.u32 s9, $0xF7A;
	s5 =	simm.s32 @!p2 $0x0  }
0x1d: {  	s5 =	simm.s32 @p1 $0x1;
	p0 =	seq.s32 s7, s2  }
0x1e: {  	s7 =	smul.u32 @!p0 $0xF7A, s2;
	p2 =	seq.s32 @!p0 s5, $0x0  }
0x1f: {  	s9 =	smul.u32 $0xF7A, s1;
	s8 =	simm.s32 @!p0 $0x1BF5;
	p2 =	por !p2, p0  }
0x20: {  	[sflag:s8] =	ssyncset.s32 @!p0 $0xFFFFF086;
	s6 =	sadd.s32 @!p0 s3, s7;
	s7 =	simm.s32 @!p0 $0x108  }
0x21: {  	s3 =	sadd.s32 s3, s9;
	s6 =	sadd.s32 @!p0 $0x88, s6;
	s7 =	simm.s32 @p2 $0x1082  }
0x22: {  	[simem:s7], [sflag:s8] =	dma.local @!p0 [hbm:s6], $0xF7A  }
0x23: {  	s9 =	sor.u32 $0xD0000000, s2;
	s6 =	simm.s32 $0x108;
	_ =	swait.ge @!p0 [sflag:s8], $0x0  }
0x24: {  	s3 =	sadd.s32 $0x88, s3;
	s6 =	simm.s32 @!p1 $0x1082;
	[sflag:s4] =	ssyncset.s32 $0xFFFFF086  }
0x25: {  	[simem:s6], [sflag:s4] =	dma.local [hbm:s3], $0xF7A  }
0x26: {  	[smem:$0x3F9D] =	sst s1;
	(tag) =	ssettag s2;
	_ =	strace s9  }
0x27: {  	s1 =	sld [smem:$0x3FAD]  }
0x28: {  	s2 =	sld [smem:$0x3FAE]  }
0x29: {  	s4 =	sld [smem:$0x3FB0]  }
0x2a: {  	p0 =	seq.s32 s5, $0x0;
	s5 =	sld [smem:$0x3FB1]  }
0x2b: {  	s6 =	sld [smem:$0x3FB2]  }
0x2c: {  	s7 =	sld [smem:$0x3FB3]  }
0x2d: {  	s3 =	simm.s32 $0x108;
	s8 =	sld [smem:$0x3FB4]  }
0x2e: {  	s3 =	simm.s32 @!p0 $0x1082;
	s9 =	sld [smem:$0x3FB5]  }
0x2f: {  	lr =	sadd.s32 s0, s3;
	s0 =	sld [smem:$0x3FAC]  }
0x30: {  	s3 =	sld [smem:$0x3FAF]  }
0x31: {  	[smem:$0x3FB8] =	sst s10  }
0x32: {  	s10 =	sld [smem:$0x3FB6];
	_ =	sdelay $0x3  }
0x33: {  	p0 =	seq.s32 s10, $0x1;
	s10 =	sld [smem:$0x3FB8];
	_ =	sdelay $0x3  }
0x34: {  	[smem:$0x3FB8] =	sst s10  }
0x35: {  	s10 =	sld [smem:$0x3FB7];
	_ =	sdelay $0x3  }
0x36: {  	p1 =	seq.s32 s10, $0x1;
	s10 =	sld [smem:$0x3FB8];
	_ =	sdelay $0x3  }
0x37: {  	[smem:$0x3FB8] =	sst s10  }
0x38: {  	s10 =	sld [smem:$0x3FB9]  }
0x39: {  	_ = 	snop;
	(pc) =	sbr.ind lr, $3  }
0x3a: {  	_ = 	snop  }
0x3b: {  	_ = 	snop  }
0x3c: {  	p2 =	seq.s32 s10, $0x1;
	s10 =	sld [smem:$0x3FB8]  }
0x3d: {  	_ =	shalt  }
0x3e: {  	_ =	shalt  }
0x3f: {  	_ =	shalt  }
0x40: {  	_ =	shalt  }
0x41: {  	_ =	shalt  }
0x42: {  	_ =	shalt  }
0x43: {  	_ =	shalt  }
0x44: {  	_ =	shalt  }
0x45: {  	_ =	shalt  }
0x46: {  	_ =	shalt  }
0x47: {  	_ =	shalt  }
0x48: {  	_ =	shalt  }
0x49: {  	_ =	shalt  }
0x4a: {  	_ =	shalt  }
0x4b: {  	_ =	shalt  }
0x4c: {  	_ =	shalt  }
0x4d: {  	_ =	shalt  }
0x4e: {  	_ =	shalt  }
0x4f: {  	_ =	shalt  }
0x50: {  	_ =	shalt  }
0x51: {  	_ =	shalt  }
0x52: {  	_ =	shalt  }
0x53: {  	_ =	shalt  }
0x54: {  	_ =	shalt  }
0x55: {  	_ =	shalt  }
0x56: {  	_ =	shalt  }
0x57: {  	_ =	shalt  }
0x58: {  	_ =	shalt  }
0x59: {  	_ =	shalt  }
0x5a: {  	_ =	shalt  }
0x5b: {  	_ =	shalt  }
0x5c: {  	_ =	shalt  }
0x5d: {  	_ =	shalt  }
0x5e: {  	_ =	shalt  }
0x5f: {  	_ =	shalt  }
0x60: {  	_ =	shalt  }
0x61: {  	_ =	shalt  }
0x62: {  	_ =	shalt  }
0x63: {  	_ =	shalt  }
0x64: {  	_ =	shalt  }
0x65: {  	_ =	shalt  }
0x66: {  	_ =	shalt  }
0x67: {  	_ =	shalt  }
0x68: {  	_ =	shalt  }
0x69: {  	_ =	shalt  }
0x6a: {  	_ =	shalt  }
0x6b: {  	_ =	shalt  }
0x6c: {  	_ =	shalt  }
0x6d: {  	_ =	shalt  }
0x6e: {  	_ =	shalt  }
0x6f: {  	_ =	shalt  }
0x70: {  	_ =	shalt  }
0x71: {  	_ =	shalt  }
0x72: {  	_ =	shalt  }
0x73: {  	_ =	shalt  }
0x74: {  	_ =	shalt  }
0x75: {  	_ =	shalt  }
0x76: {  	_ =	shalt  }
0x77: {  	_ =	shalt  }
0x78: {  	_ =	shalt  }
0x79: {  	_ =	shalt  }
0x7a: {  	_ =	shalt  }
0x7b: {  	_ =	shalt  }
0x7c: {  	_ =	shalt  }
0x7d: {  	_ =	shalt  }
0x7e: {  	_ =	shalt  }
0x7f: {  	_ =	shalt  }
0x80: {  	_ =	shalt  }
0x81: {  	_ =	shalt  }
0x82: {  	_ =	shalt  }
0x83: {  	_ =	shalt  }
0x84: {  	_ =	shalt  }
0x85: {  	_ =	shalt  }
0x86: {  	_ =	shalt  }
0x87: {  	_ =	shalt  }
.Lfunc_end0:
.L_simem_size_0:
called_computation.1_lowered:
.L_overlay_start_0:
0x88: {  	s2 =	sld [smem:$0x3FD9]  }
0x89: {  	s3 =	sld [smem:$0x3FFE];
	_ =	sdelay $0x1  }
0x8a: {  	s1 =	srdreg.scid  }
0x8b: {  	s0 =	sand.u32 $0x1, s1  }
0x8c: {  	s16 =	sshll.u32 s0, $0xA;
	s2 =	sadd.s32 s3, s2  }
0x8d: {  	s2 =	sadd.s32 s2, s16  }
0x8e: {  	[smem:$0x3FC4] =	sst s2  }
0x8f: {  	_ = 	snop  }
0x90: {  	(tm) =	ssettm $0x1  }
0x91: {  	s17 =	sld [smem:$0x3FFB];
	_ =	sdelay $0x3  }
0x92: {  	_ =	strace s17  }
0x93: {  	s2 =	sld [smem:$0x3FFC];
	_ =	sdelay $0x3  }
0x94: {  	_ =	strace s2  }
0x95: {  	s2 =	sld [smem:$0x3FFD];
	_ =	sdelay $0x3  }
0x96: {  	_ =	strace s2  }
0x97: {  	_ =	strace $0x8FFFFFFF  }
0x98: {  	s18 =	sld [smem:$0x3FDB];
	_ =	sdelay $0x1  }
0x99: {  	s19 =	simm.s32 $_scs_section_size  }
0x9a: {  	s4 =	simm.s32 $_size__tile_overlayer_lowered;
	s5 =	simm.s32 $_tile_overlayer_lowered  }
0x9b: {  	s22 =	simm.s32 $0x1BFF;
	s21 =	sshll.u32 s5, $0x1;
	s2 =	sadd.s32 s19, s18  }
0x9c: {  	s6 =	simm.s32 $0x0;
	s20 =	sshll.u32 s4, $0x1;
	s4 =	sadd.s32 s21, s2  }
0x9d: {  	[timem:s6], [sflag:s22] =	dma.local [hbm:s4], s20  }
0x9e: {  	_ =	swait.ge [sflag:s22], s20  }
0x9f: {  	s3 =	ssub.s32 $0x0, s20;
	[sflag:s22] =	ssyncset.done $0x0  }
0xa0: {  	[sflag:s22] =	ssyncadd.s32 s3;
	_ =	sdelay $0x1  }
0xa1: {  	s23 =	simm.s32 $0x1B8B  }
0xa2: {  	_ =	swait.ge [sflag:s23], $0x1  }
0xa3: {  	[sflag:s23] =	ssyncset.done $0x0  }
0xa4: {  	s25 =	simm.s32 $0x1B8E;
	s24 =	sld [smem:$0x3FFE];
	[sflag:s23] =	ssyncadd.s32 $0xFFFFFFFF  }
0xa5: {  	s26 =	simm.s32 $execute0_lowered;
	[smem:$0x3FD2] =	sst s25  }
0xa6: {  	s4 =	sshll.u32 s26, $0x1;
	_ =	strace $0x8000004F;
	[dreg:$0x1] =	wrdreg $0xFFFFFFFF  }
0xa7: {  	s28 =	simm.s32 $_size_execute0_lowered;
	s2 =	sadd.s32 s2, s4;
	[dreg:$0x0] =	wrdreg $0x0  }
0xa8: {  	s4 =	sshll.u32 s28, $0x1;
	[dreg:$0x2] =	wrdreg s2  }
0xa9: {  	[dreg:$0x3] =	wrdreg s4  }
0xaa: {  	[dreg:$0x4] =	wrdreg $0xC0  }
0xab: {  	_ =	task [dreg:s6], $0x5FFFF  }
0xac: {  	[dreg:$0x1] =	wrdreg $0xFFFFFFFF  }
0xad: {  	[dreg:$0x0] =	wrdreg $0x60  }
0xae: {  	[dreg:$0x2] =	wrdreg s24  }
0xaf: {  	[dreg:$0x3] =	wrdreg $0x9  }
0xb0: {  	_ =	task.clear_ibuf [dreg:s6], $0x4FFFF;
	_ =	strace $0x9000004F  }
0xb1: {  	s29 =	simm.s32 $0x9;
	_ =	strace $0x80000058  }
0xb2: {  	_ =	swait.ge [sflag:s29], $0x1  }
0xb3: {  	[sflag:s29] =	ssyncadd.s32 $0xFFFFFFFF  }
0xb4: {  	_ =	strace $0x90000058  }
0xb5: {  	_ =	sfence  }
0xb6: {  	s30 =	sld [smem:$0x0];
	_ =	sdelay $0x2  }
0xb7: {  	s31 =	sshll.u32 s1, $0xD;
	s1 =	sshrl.u32 s1, $0x2  }
0xb8: {  	s3 =	sand.u32 $0x4000, s31;
	s1 =	sadd.s32 s1, s30  }
0xb9: {  	s0 =	sor.u32 s3, s0;
	s1 =	sshll.u32 s1, $0x11  }
0xba: {  	s0 =	sor.u32 s1, s0  }
0xbb: {  	s0 =	sadd.s32 $0x8F2B, s0  }
0xbc: {  	[sflag:s0] =	ssyncadd.remote.s32 $0x1  }
0xbd: {  	_ =	sfence.sel $0xFFFF  }
0xbe: {  	[dreg:$0x0] =	wrdreg $0xFFFFFFFF;
	(pc) =	sbr.abs _section_cstart, $3  }
0xbf: {  	[dreg:$0x1] =	wrdreg $0xFFFFFFFF  }
0xc0: {  	_ =	task.clear_ibuf [dreg:s6], $0x2FFFF;
	_ =	strace $0x9FFFFFFF  }
0xc1: {  	(tm) =	ssettm $0x7FFFFFFF  }
tec
execute0_lowered:
.L_overlay_start_1:
0x0: {  	(tag) =	ssettag $0x1  }
0x1: {  	s5 =	rddreg [dreg:$0x0]  }
0x2: {  	s0 =	rddreg [dreg:$0x1];
	s1 =	simm.s32 $0x0  }
0x3: {  	s2 =	srdreg.scid;
	s9 =	simm.s32 $0x4;
	s10 =	simm.s32 $0x0  }
0x4: {  	[smem:$0x7FF] =	sst s1;
	s3 =	sadd.s32 $0x72A00, s5;
	s4 =	sadd.s32 $0x72200, s5  }
0x5: {  	s6 =	sand.u32 $0x1, s2;
	s2 =	stileid.u32;
	s5 =	sadd.s32 $0x132A00, s5  }
0x6: {  	_ =	strace $0x80000050;
	s7 =	ssub.s32 $0x2, s6;
	s6 =	sshll.u32 s6, $0x4  }
0x7: {  	v2 =	vlaneseq.u32;
	[dreg:$0x2] =	wrdreg s5;
	s8 =	sshrl.u32 s7, $0x1;
	s6 =	sor.u32 s2, s6  }
0x8: {  	vm0 =	vmmov $0xffff;
	v1 =	vshrl.u32 v2, $0x3;
	s7 =	ssub.s32 s7, s8;
	s31 =	sshll.u32 s6, $0x6;
	s5 =	sshll.u32 s6, $0x2  }
0x9: {  	v0 =	vand.u32 $0x7, v2;
	v2 =	vor.u32 $0x8, v2;
	v1 =	vmul.u32 $0x8, v1;
	s8 =	simm.s32 $0x5;
	s6 =	sadd.s32 s4, s31;
	s7 =	smax.u32 s7, $0x1  }
.LBB2_1:
0xa: {  	_ =	strace $0x80000051;
	s11 =	simm.s32 $0x4  }
0xb: {  	s12 =	simm.s32 $0x0;
	s13 =	simm.s32 $0x0;
	s14 =	simm.s32 $0x0  }
0xc: {  	[tilespmem:s1], [sflag:$0x1] =	stream.linear.gather [hbm4b:s6+s1], $0x80, $0x200038;
	[tilespmem:$0x10100] =	vst v63  }
0xd: {  	s15 =	simm.s32 $0x0;
	s16 =	simm.s32 $0x1;
	_ =	strace $0x90000051  }
.LBB2_2:
0xe: {  	s17 =	smov.u32 s12;
	s12 =	sadd.s32 $0x1, s12  }
0xf: {  	p0 =	seq.s32 s12, $0x4  }
0x10: {  	s12 =	simm.s32 @p0 $0x0  }
0x11: {  	p6 =	sne.s32 s11, $0x1;
	p1 =	sne.s32 s17, s12  }
0x12: {  	p0 =	por !p6, !p1  }
0x13: {  	p0 =	por !p0, !p0  }
0x14: {  	s18 =	sadd.s32 @p0 s5, s12  }
0x15: {  	s19 =	sand.u32 @p0 $0x1, s16;
	s18 =	sshll.u32 @p0 s18, $0x4  }
0x16: {  	_ =	strace @p0 $0x80000052;
	s21 =	simm.s32 @p0 $0x0;
	s18 =	sand.u32 @p0 $0x1FFFFFF0, s18  }
0x17: {  	s20 =	sshll.u32 @p0 s19, $0x7;
	s19 =	sadd.s32 @p0 $0x1, s19;
	s18 =	sadd.s32 @p0 s4, s18  }
0x18: {  	[tilespmem:s20], [sflag:s19] =	stream.linear.gather @p0 [hbm4b:s18+s21], $0x80, $0x200038;
	[tilespmem:$0x10100] =	vst v63  }
0x19: {  	s24 =	sand.u32 $0x1, s15;
	_ =	strace @p0 $0x90000052  }
0x1a: {  	s18 =	sadd.s32 $0x1, s24;
	_ =	strace $0x80000053  }
0x1b: {  	_ =	swait.ge [sflag:s18], $0x80  }
0x1c: {  	[sflag:s18] =	ssyncset.done $0x0  }
0x1d: {  	[sflag:s18] =	ssyncadd.s32 $0xFFFFFF80  }
0x1e: {  	s25 =	sshll.u32 s15, $0x7;
	_ =	strace $0x90000053  }
0x1f: {  	s21 =	sand.u32 $0x80, s25;
	_ =	strace $0x80000054  }
0x20: {  	v3 =	vld [tilespmem:s21+$0x0];
	_ =	sdelay $0x4  }
0x21: {  	v4 =	vshll.u32 v3, $0x1  }
0x22: {  	v3 =	vand.u32 $0x7, v3;
	v4 =	vand.u32 $0xFFFFFFF0, v4  }
0x23: {  	v3 =	vor.u32 v3, v4  }
0x24: {  	v4 =	vperm.xlane v3, v0;
	_ =	sdelay $0x1  }
0x25: {  	v3 =	vperm.xlane v3, v2;
	v4 =	vadd.s32 v1, v4;
	_ =	sdelay $0x1  }
0x26: {  	s18 =	sand.u32 $0x1, s14;
	v3 =	vadd.s32 v1, v3  }
0x27: {  	s20 =	sshll.u32 s18, $0xF  }
0x28: {  	s19 =	sor.u32 $0x100, s20  }
0x29: {  	[tilespmem:s19], [sflag:$0x5] =	stream.indirect_vreg.gather [hbm4b:s3+s1], $0x80, v4, vm0, $0x2000b8;
	[tilespmem:$0x10100] =	vst v63  }
0x2a: {  	s22 =	sor.u32 $0x900, s20  }
0x2b: {  	[tilespmem:s22], [sflag:$0x5] =	stream.indirect_vreg.gather [hbm4b:s3+s1], $0x80, v3, vm0, $0x2000b8;
	[tilespmem:$0x10100] =	vst v63  }
0x2c: {  	v3 =	vld [tilespmem:s21+$0x10];
	_ =	sdelay $0x4  }
0x2d: {  	v57 =	vshll.u32 v3, $0x1  }
0x2e: {  	v3 =	vand.u32 $0x7, v3;
	v4 =	vand.u32 $0xFFFFFFF0, v57  }
0x2f: {  	v3 =	vor.u32 v3, v4  }
0x30: {  	v4 =	vperm.xlane v3, v0;
	_ =	sdelay $0x1  }
0x31: {  	v3 =	vperm.xlane v3, v2;
	v4 =	vadd.s32 v1, v4;
	_ =	sdelay $0x1  }
0x32: {  	v3 =	vadd.s32 v1, v3;
	_ =	sdelay $0x1  }
0x33: {  	s26 =	sor.u32 $0x1100, s20  }
0x34: {  	[tilespmem:s26], [sflag:$0x5] =	stream.indirect_vreg.gather [hbm4b:s3+s1], $0x80, v4, vm0, $0x2000b8;
	[tilespmem:$0x10100] =	vst v63  }
0x35: {  	s28 =	sor.u32 $0x1900, s20  }
0x36: {  	[tilespmem:s28], [sflag:$0x5] =	stream.indirect_vreg.gather [hbm4b:s3+s1], $0x80, v3, vm0, $0x2000b8;
	[tilespmem:$0x10100] =	vst v63  }
0x37: {  	v3 =	vld [tilespmem:s21+$0x20];
	_ =	sdelay $0x4  }
0x38: {  	v58 =	vshll.u32 v3, $0x1  }
0x39: {  	v3 =	vand.u32 $0x7, v3;
	v4 =	vand.u32 $0xFFFFFFF0, v58  }
0x3a: {  	v3 =	vor.u32 v3, v4  }
0x3b: {  	v4 =	vperm.xlane v3, v0;
	_ =	sdelay $0x1  }
0x3c: {  	v3 =	vperm.xlane v3, v2;
	v4 =	vadd.s32 v1, v4;
	_ =	sdelay $0x1  }
0x3d: {  	v3 =	vadd.s32 v1, v3;
	_ =	sdelay $0x1  }
0x3e: {  	s29 =	sor.u32 $0x2100, s20  }
0x3f: {  	[tilespmem:s29], [sflag:$0x5] =	stream.indirect_vreg.gather [hbm4b:s3+s1], $0x80, v4, vm0, $0x2000b8;
	[tilespmem:$0x10100] =	vst v63  }
0x40: {  	s30 =	sor.u32 $0x2900, s20  }
0x41: {  	[tilespmem:s30], [sflag:$0x5] =	stream.indirect_vreg.gather [hbm4b:s3+s1], $0x80, v3, vm0, $0x2000b8;
	[tilespmem:$0x10100] =	vst v63  }
0x42: {  	v3 =	vld [tilespmem:s21+$0x30];
	_ =	sdelay $0x4  }
0x43: {  	v59 =	vshll.u32 v3, $0x1  }
0x44: {  	v3 =	vand.u32 $0x7, v3;
	v4 =	vand.u32 $0xFFFFFFF0, v59  }
0x45: {  	v3 =	vor.u32 v3, v4  }
0x46: {  	v4 =	vperm.xlane v3, v0;
	_ =	sdelay $0x1  }
0x47: {  	v3 =	vperm.xlane v3, v2;
	v4 =	vadd.s32 v1, v4;
	_ =	sdelay $0x1  }
0x48: {  	v3 =	vadd.s32 v1, v3;
	_ =	sdelay $0x1  }
0x49: {  	s31 =	sor.u32 $0x3100, s20  }
0x4a: {  	[tilespmem:s31], [sflag:$0x5] =	stream.indirect_vreg.gather [hbm4b:s3+s1], $0x80, v4, vm0, $0x2000b8;
	[tilespmem:$0x10100] =	vst v63  }
0x4b: {  	s23 =	sor.u32 $0x3900, s20  }
0x4c: {  	[tilespmem:s23], [sflag:$0x5] =	stream.indirect_vreg.gather [hbm4b:s3+s1], $0x80, v3, vm0, $0x2000b8;
	[tilespmem:$0x10100] =	vst v63  }
0x4d: {  	v3 =	vld [tilespmem:s21+$0x40];
	_ =	sdelay $0x4  }
0x4e: {  	v60 =	vshll.u32 v3, $0x1  }
0x4f: {  	v3 =	vand.u32 $0x7, v3;
	v4 =	vand.u32 $0xFFFFFFF0, v60  }
0x50: {  	v3 =	vor.u32 v3, v4  }
0x51: {  	v4 =	vperm.xlane v3, v0;
	_ =	sdelay $0x1  }
0x52: {  	v3 =	vperm.xlane v3, v2;
	v4 =	vadd.s32 v1, v4;
	_ =	sdelay $0x1  }
0x53: {  	v3 =	vadd.s32 v1, v3;
	_ =	sdelay $0x1  }
0x54: {  	s24 =	sor.u32 $0x4100, s20  }
0x55: {  	[tilespmem:s24], [sflag:$0x5] =	stream.indirect_vreg.gather [hbm4b:s3+s1], $0x80, v4, vm0, $0x2000b8;
	[tilespmem:$0x10100] =	vst v63  }
0x56: {  	s25 =	sor.u32 $0x4900, s20  }
0x57: {  	[tilespmem:s25], [sflag:$0x5] =	stream.indirect_vreg.gather [hbm4b:s3+s1], $0x80, v3, vm0, $0x2000b8;
	[tilespmem:$0x10100] =	vst v63  }
0x58: {  	v3 =	vld [tilespmem:s21+$0x50];
	_ =	sdelay $0x4  }
0x59: {  	v61 =	vshll.u32 v3, $0x1  }
0x5a: {  	v3 =	vand.u32 $0x7, v3;
	v4 =	vand.u32 $0xFFFFFFF0, v61  }
0x5b: {  	v3 =	vor.u32 v3, v4  }
0x5c: {  	v4 =	vperm.xlane v3, v0;
	_ =	sdelay $0x1  }
0x5d: {  	v3 =	vperm.xlane v3, v2;
	v4 =	vadd.s32 v1, v4;
	_ =	sdelay $0x1  }
0x5e: {  	v3 =	vadd.s32 v1, v3;
	_ =	sdelay $0x1  }
0x5f: {  	s26 =	sor.u32 $0x5100, s20  }
0x60: {  	[tilespmem:s26], [sflag:$0x5] =	stream.indirect_vreg.gather [hbm4b:s3+s1], $0x80, v4, vm0, $0x2000b8;
	[tilespmem:$0x10100] =	vst v63  }
0x61: {  	s28 =	sor.u32 $0x5900, s20  }
0x62: {  	[tilespmem:s28], [sflag:$0x5] =	stream.indirect_vreg.gather [hbm4b:s3+s1], $0x80, v3, vm0, $0x2000b8;
	[tilespmem:$0x10100] =	vst v63  }
0x63: {  	v3 =	vld [tilespmem:s21+$0x60];
	_ =	sdelay $0x4  }
0x64: {  	v62 =	vshll.u32 v3, $0x1  }
0x65: {  	v3 =	vand.u32 $0x7, v3;
	v4 =	vand.u32 $0xFFFFFFF0, v62  }
0x66: {  	v3 =	vor.u32 v3, v4  }
0x67: {  	v4 =	vperm.xlane v3, v0;
	_ =	sdelay $0x1  }
0x68: {  	v3 =	vperm.xlane v3, v2;
	v4 =	vadd.s32 v1, v4;
	_ =	sdelay $0x1  }
0x69: {  	v3 =	vadd.s32 v1, v3;
	_ =	sdelay $0x1  }
0x6a: {  	s29 =	sor.u32 $0x6100, s20  }
0x6b: {  	[tilespmem:s29], [sflag:$0x5] =	stream.indirect_vreg.gather [hbm4b:s3+s1], $0x80, v4, vm0, $0x2000b8;
	[tilespmem:$0x10100] =	vst v63  }
0x6c: {  	s30 =	sor.u32 $0x6900, s20  }
0x6d: {  	[tilespmem:s30], [sflag:$0x5] =	stream.indirect_vreg.gather [hbm4b:s3+s1], $0x80, v3, vm0, $0x2000b8;
	[tilespmem:$0x10100] =	vst v63  }
0x6e: {  	v3 =	vld [tilespmem:s21+$0x70];
	_ =	sdelay $0x4  }
0x6f: {  	v63 =	vshll.u32 v3, $0x1  }
0x70: {  	v3 =	vand.u32 $0x7, v3;
	v4 =	vand.u32 $0xFFFFFFF0, v63  }
0x71: {  	v3 =	vor.u32 v3, v4  }
0x72: {  	v4 =	vperm.xlane v3, v0;
	_ =	sdelay $0x1  }
0x73: {  	v3 =	vperm.xlane v3, v2;
	v4 =	vadd.s32 v1, v4;
	_ =	sdelay $0x1  }
0x74: {  	v3 =	vadd.s32 v1, v3;
	_ =	sdelay $0x1  }
0x75: {  	s31 =	sor.u32 $0x7100, s20  }
0x76: {  	[tilespmem:s31], [sflag:$0x5] =	stream.indirect_vreg.gather [hbm4b:s3+s1], $0x80, v4, vm0, $0x2000b8;
	[tilespmem:$0x10100] =	vst v63  }
0x77: {  	s20 =	sor.u32 $0x7900, s20  }
0x78: {  	[tilespmem:s20], [sflag:$0x5] =	stream.indirect_vreg.gather [hbm4b:s3+s1], $0x80, v3, vm0, $0x2000b8;
	[tilespmem:$0x10100] =	vst v63  }
0x79: {  	_ =	swait.ge [sflag:s8], $0x8000  }
0x7a: {  	p2 =	seq.s32 s11, $0x1;
	[sflag:s8] =	ssyncset.done $0x0  }
0x7b: {  	s17 =	sadd.s32 s5, s17;
	p1 =	por p2, p1;
	[sflag:s8] =	ssyncadd.s32 $0xFFFF8000  }
0x7c: {  	s17 =	sshll.u32 @p1 s17, $0xC;
	_ =	strace $0x90000054  }
0x7d: {  	s17 =	sand.u32 @p1 $0x1FFFF000, s17;
	s21 =	simm.s32 $0x1;
	_ =	strace @p1 $0x80000055  }
0x7e: {  	s18 =	sadd.s32 @p1 $0x3, s18;
	s21 =	simm.s32 @!p0 $0x0;
	s20 =	rddreg [dreg:$0x2]  }
0x7f: {  	p0 =	seq.s32 s11, $0x4;
	s17 =	sadd.s32 @p1 s20, s17;
	s20 =	simm.s32 @p1 $0x0  }
0x80: {  	[hbm4b:s17+s20] =	stream.linear.scatter @p1 [tilespmem:s19], [sflag:s18], $0x8000, $0x200038;
	[tilespmem:$0x10100] =	vst v63  }
0x81: {  	s17 =	simm.s32 $0x1;
	s19 =	simm.s32 $0x1;
	_ =	strace @p1 $0x90000055  }
0x82: {  	s17 =	simm.s32 @!p1 $0x0;
	p1 =	sne.s32 s11, $0x4;
	s11 =	sadd.s32 $0xFFFFFFFF, s11  }
0x83: {  	s18 =	sand.u32 @!p0 $0x1, s13;
	s19 =	simm.s32 @!p1 $0x0;
	p1 =	sne.s32 s11, $0x0  }
.Ltmp0:
0x84: {  	s18 =	sadd.s32 @!p0 $0x3, s18;
	_ =	strace @!p0 $0x80000056;
	(pc) =	sbr.rel @p1 .LBB2_2-.Ltmp0, $4  }
0x85: {  	_ =	swait.ge @!p0 [sflag:s18], $0x8000  }
0x86: {  	[sflag:s18] =	ssyncset.done @!p0 $0x0  }
0x87: {  	s16 =	sadd.s32 s21, s16;
	s14 =	sadd.s32 s17, s14;
	[sflag:s18] =	ssyncadd.s32 @!p0 $0xFFFF8000  }
0x88: {  	s15 =	sadd.s32 s17, s15;
	s13 =	sadd.s32 s19, s13;
	_ =	strace @!p0 $0x90000056  }
0x89: {  	s10 =	sadd.s32 $0x1, s10  }
0x8a: {  	p0 =	sne.s32 s10, s7  }
.Ltmp1:
0x8b: {  	_ =	strace $0x80000057;
	(pc) =	sbr.rel @p0 .LBB2_1-.Ltmp1, $4  }
0x8c: {  	_ =	swait.ge [sflag:s9], $0x8000  }
0x8d: {  	[sflag:s9] =	ssyncset.done $0x0  }
0x8e: {  	[sflag:s9] =	ssyncadd.s32 $0xFFFF8000  }
0x8f: {  	_ =	strace $0x90000057  }
0x90: {  	_ =	sfence.sel $0x180000  }
0x91: {  	[bflag:$0x0] =	sbarrier.arrive $0xFFFF  }
0x92: {  	p0 =	sne.s32 s2, $0x0;
	_ =	strace $0x90000050  }
0x93: {  	s0 =	sadd.s32 @!p0 $0x100000, s0;
	[bflag:$0x2] =	sbarrier.arrive $0xFFFF  }
0x94: {  	[sflag:s0] =	ssyncadd.tile.s32 @!p0 $0x1;
	_ =	shalt  }
.Lfunc_end2:
_tile_overlayer_lowered:
.L_overlay_start_2:
0x95: {  	(tag) =	ssettag $0x2  }
0x96: {  	s0 =	rddreg [dreg:$0x0];
	s2 =	stileid.u32  }
0x97: {  	s1 =	rddreg [dreg:$0x1];
	p0 =	sne.s32 s2, $0x0  }
0x98: {  	s3 =	rddreg [dreg:$0x2];
	[bflag:$0x3] =	sbarrier.arrive $0xFFFF;
	s2 =	simm.s32 @!p0 $0x1C01  }
0x99: {  	[timem:s3], [sflag:s2] =	dma.local @!p0 [hbm:s0], s1  }
0x9a: {  	s0 =	simm.s32 @!p0 $0x1  }
0x9b: {  	_ =	swait.ge @!p0 [sflag:s0], s1  }
0x9c: {  	s1 =	ssub.s32 @!p0 $0x0, s1;
	[sflag:s0] =	ssyncset.done @!p0 $0x0  }
0x9d: {  	[sflag:s0] =	ssyncadd.s32 @!p0 s1  }
0x9e: {  	[bflag:$0x3] =	sbarrier.arrive $0xFFFF  }
0x9f: {  	_ =	shalt  }

// kernel: kernel.7.cloned.1.call-start
scs
__scs_entry_jumppad:
0x0: {  	(pc) =	sbr.rel $0x88, $3  }
0x1: {  	(tag) =	ssettag $0x0;
	lr =	simm.s32 $0x1  }
0x2: {  	[smem:$0x3F9D] =	sst lr;
	_ =	strace $0xD0000000  }
0x3: {  	_ = 	snop  }
0x4: {  	_ = 	snop  }
0x5: {  	_ = 	snop  }
0x6: {  	_ = 	snop  }
0x7: {  	_ = 	snop  }
__scs_overlays_trampoline_lowered:
0x8: {  	[smem:$0x3FAC] =	sst s0  }
0x9: {  	[smem:$0x3FAD] =	sst s1  }
0xa: {  	[smem:$0x3FAE] =	sst s2  }
0xb: {  	[smem:$0x3FAF] =	sst s3  }
0xc: {  	[smem:$0x3FB0] =	sst s4  }
0xd: {  	[smem:$0x3FB1] =	sst s5  }
0xe: {  	[smem:$0x3FB2] =	sst s6  }
0xf: {  	[smem:$0x3FB3] =	sst s7  }
0x10: {  	[smem:$0x3FB4] =	sst s8  }
0x11: {  	[smem:$0x3FB5] =	sst s9;
	s0 =	simm.s32 @!p0 $0x0  }
0x12: {  	s1 =	sld [smem:$0x3F9B];
	s0 =	simm.s32 @p0 $0x1  }
0x13: {  	[smem:$0x3FB6] =	sst s0;
	s0 =	simm.s32 @!p1 $0x0  }
0x14: {  	s2 =	sld [smem:$0x3F9A];
	s0 =	simm.s32 @p1 $0x1  }
0x15: {  	[smem:$0x3FB7] =	sst s0;
	s0 =	simm.s32 @!p2 $0x0  }
0x16: {  	s3 =	sld [smem:$0x3FDB];
	s0 =	simm.s32 @p2 $0x1  }
0x17: {  	s4 =	simm.s32 $0x1BF5;
	[smem:$0x3FB9] =	sst s0  }
0x18: {  	s0 =	sld [smem:$0x3F9C];
	_ =	swait.ge [sflag:s4], $0x0  }
0x19: {  	s7 =	sld [smem:$0x3F9D]  }
0x1a: {  	s8 =	sadd.s32 $0xFFFFE003, lr  }
0x1b: {  	s9 =	sadd.s32 $0xFFFFFEF7, lr;
	s5 =	simm.s32 $0xFFFFFFFF;
	p2 =	slt.u32 s8, $0xFFFFF086  }
0x1c: {  	p1 =	slt.u32 s9, $0xF7A;
	s5 =	simm.s32 @!p2 $0x0  }
0x1d: {  	s5 =	simm.s32 @p1 $0x1;
	p0 =	seq.s32 s7, s2  }
0x1e: {  	s7 =	smul.u32 @!p0 $0xF7A, s2;
	p2 =	seq.s32 @!p0 s5, $0x0  }
0x1f: {  	s9 =	smul.u32 $0xF7A, s1;
	s8 =	simm.s32 @!p0 $0x1BF5;
	p2 =	por !p2, p0  }
0x20: {  	[sflag:s8] =	ssyncset.s32 @!p0 $0xFFFFF086;
	s6 =	sadd.s32 @!p0 s3, s7;
	s7 =	simm.s32 @!p0 $0x108  }
0x21: {  	s3 =	sadd.s32 s3, s9;
	s6 =	sadd.s32 @!p0 $0x88, s6;
	s7 =	simm.s32 @p2 $0x1082  }
0x22: {  	[simem:s7], [sflag:s8] =	dma.local @!p0 [hbm:s6], $0xF7A  }
0x23: {  	s9 =	sor.u32 $0xD0000000, s2;
	s6 =	simm.s32 $0x108;
	_ =	swait.ge @!p0 [sflag:s8], $0x0  }
0x24: {  	s3 =	sadd.s32 $0x88, s3;
	s6 =	simm.s32 @!p1 $0x1082;
	[sflag:s4] =	ssyncset.s32 $0xFFFFF086  }
0x25: {  	[simem:s6], [sflag:s4] =	dma.local [hbm:s3], $0xF7A  }
0x26: {  	[smem:$0x3F9D] =	sst s1;
	(tag) =	ssettag s2;
	_ =	strace s9  }
0x27: {  	s1 =	sld [smem:$0x3FAD]  }
0x28: {  	s2 =	sld [smem:$0x3FAE]  }
0x29: {  	s4 =	sld [smem:$0x3FB0]  }
0x2a: {  	p0 =	seq.s32 s5, $0x0;
	s5 =	sld [smem:$0x3FB1]  }
0x2b: {  	s6 =	sld [smem:$0x3FB2]  }
0x2c: {  	s7 =	sld [smem:$0x3FB3]  }
0x2d: {  	s3 =	simm.s32 $0x108;
	s8 =	sld [smem:$0x3FB4]  }
0x2e: {  	s3 =	simm.s32 @!p0 $0x1082;
	s9 =	sld [smem:$0x3FB5]  }
0x2f: {  	lr =	sadd.s32 s0, s3;
	s0 =	sld [smem:$0x3FAC]  }
0x30: {  	s3 =	sld [smem:$0x3FAF]  }
0x31: {  	[smem:$0x3FB8] =	sst s10  }
0x32: {  	s10 =	sld [smem:$0x3FB6];
	_ =	sdelay $0x3  }
0x33: {  	p0 =	seq.s32 s10, $0x1;
	s10 =	sld [smem:$0x3FB8];
	_ =	sdelay $0x3  }
0x34: {  	[smem:$0x3FB8] =	sst s10  }
0x35: {  	s10 =	sld [smem:$0x3FB7];
	_ =	sdelay $0x3  }
0x36: {  	p1 =	seq.s32 s10, $0x1;
	s10 =	sld [smem:$0x3FB8];
	_ =	sdelay $0x3  }
0x37: {  	[smem:$0x3FB8] =	sst s10  }
0x38: {  	s10 =	sld [smem:$0x3FB9]  }
0x39: {  	_ = 	snop;
	(pc) =	sbr.ind lr, $3  }
0x3a: {  	_ = 	snop  }
0x3b: {  	_ = 	snop  }
0x3c: {  	p2 =	seq.s32 s10, $0x1;
	s10 =	sld [smem:$0x3FB8]  }
0x3d: {  	_ =	shalt  }
0x3e: {  	_ =	shalt  }
0x3f: {  	_ =	shalt  }
0x40: {  	_ =	shalt  }
0x41: {  	_ =	shalt  }
0x42: {  	_ =	shalt  }
0x43: {  	_ =	shalt  }
0x44: {  	_ =	shalt  }
0x45: {  	_ =	shalt  }
0x46: {  	_ =	shalt  }
0x47: {  	_ =	shalt  }
0x48: {  	_ =	shalt  }
0x49: {  	_ =	shalt  }
0x4a: {  	_ =	shalt  }
0x4b: {  	_ =	shalt  }
0x4c: {  	_ =	shalt  }
0x4d: {  	_ =	shalt  }
0x4e: {  	_ =	shalt  }
0x4f: {  	_ =	shalt  }
0x50: {  	_ =	shalt  }
0x51: {  	_ =	shalt  }
0x52: {  	_ =	shalt  }
0x53: {  	_ =	shalt  }
0x54: {  	_ =	shalt  }
0x55: {  	_ =	shalt  }
0x56: {  	_ =	shalt  }
0x57: {  	_ =	shalt  }
0x58: {  	_ =	shalt  }
0x59: {  	_ =	shalt  }
0x5a: {  	_ =	shalt  }
0x5b: {  	_ =	shalt  }
0x5c: {  	_ =	shalt  }
0x5d: {  	_ =	shalt  }
0x5e: {  	_ =	shalt  }
0x5f: {  	_ =	shalt  }
0x60: {  	_ =	shalt  }
0x61: {  	_ =	shalt  }
0x62: {  	_ =	shalt  }
0x63: {  	_ =	shalt  }
0x64: {  	_ =	shalt  }
0x65: {  	_ =	shalt  }
0x66: {  	_ =	shalt  }
0x67: {  	_ =	shalt  }
0x68: {  	_ =	shalt  }
0x69: {  	_ =	shalt  }
0x6a: {  	_ =	shalt  }
0x6b: {  	_ =	shalt  }
0x6c: {  	_ =	shalt  }
0x6d: {  	_ =	shalt  }
0x6e: {  	_ =	shalt  }
0x6f: {  	_ =	shalt  }
0x70: {  	_ =	shalt  }
0x71: {  	_ =	shalt  }
0x72: {  	_ =	shalt  }
0x73: {  	_ =	shalt  }
0x74: {  	_ =	shalt  }
0x75: {  	_ =	shalt  }
0x76: {  	_ =	shalt  }
0x77: {  	_ =	shalt  }
0x78: {  	_ =	shalt  }
0x79: {  	_ =	shalt  }
0x7a: {  	_ =	shalt  }
0x7b: {  	_ =	shalt  }
0x7c: {  	_ =	shalt  }
0x7d: {  	_ =	shalt  }
0x7e: {  	_ =	shalt  }
0x7f: {  	_ =	shalt  }
0x80: {  	_ =	shalt  }
0x81: {  	_ =	shalt  }
0x82: {  	_ =	shalt  }
0x83: {  	_ =	shalt  }
0x84: {  	_ =	shalt  }
0x85: {  	_ =	shalt  }
0x86: {  	_ =	shalt  }
0x87: {  	_ =	shalt  }
.Lfunc_end0:
.L_simem_size_0:
called_computation_lowered:
.L_overlay_start_0:
0x88: {  	s2 =	sld [smem:$0x3FD9]  }
0x89: {  	s3 =	sld [smem:$0x3FFE];
	_ =	sdelay $0x1  }
0x8a: {  	s1 =	srdreg.scid  }
0x8b: {  	s0 =	sand.u32 $0x1, s1  }
0x8c: {  	s14 =	sshll.u32 s0, $0xA;
	s2 =	sadd.s32 s3, s2  }
0x8d: {  	s2 =	sadd.s32 s2, s14  }
0x8e: {  	[smem:$0x3FC4] =	sst s2  }
0x8f: {  	_ = 	snop  }
0x90: {  	s2 =	sld [smem:$0x3FD0];
	_ =	sdelay $0x2  }
0x91: {  	s15 =	simm.s32 $0xA;
	s4 =	simm.s32 $0x10  }
0x92: {  	[smem:s4], [sflag:s15] =	dma.local [hbm:s2], $0x1  }
0x93: {  	_ =	swait.eq [sflag:s15], $0x1  }
0x94: {  	[sflag:s15] =	ssyncset.done $0x0  }
0x95: {  	[sflag:s15] =	ssyncadd.s32 $0xFFFFFFFF  }
0x96: {  	s16 =	sld [smem:$0x10];
	(tm) =	ssettm $0x1  }
0x97: {  	s17 =	sld [smem:$0x3FFB];
	_ =	sdelay $0x3  }
0x98: {  	_ =	strace s17  }
0x99: {  	s3 =	sld [smem:$0x3FFC];
	_ =	sdelay $0x3  }
0x9a: {  	_ =	strace s3  }
0x9b: {  	s3 =	sld [smem:$0x3FFD];
	_ =	sdelay $0x3  }
0x9c: {  	_ =	strace s3  }
0x9d: {  	_ =	strace $0x8FFFFFFF  }
0x9e: {  	s18 =	sld [smem:$0x3FDB];
	_ =	sdelay $0x1  }
0x9f: {  	s19 =	simm.s32 $_scs_section_size  }
0xa0: {  	s5 =	simm.s32 $_size__tile_overlayer_lowered;
	s6 =	simm.s32 $_tile_overlayer_lowered  }
0xa1: {  	s22 =	simm.s32 $0x1BFF;
	s21 =	sshll.u32 s6, $0x1;
	s3 =	sadd.s32 s19, s18  }
0xa2: {  	s7 =	simm.s32 $0x0;
	s20 =	sshll.u32 s5, $0x1;
	s5 =	sadd.s32 s21, s3  }
0xa3: {  	[timem:s7], [sflag:s22] =	dma.local [hbm:s5], s20  }
0xa4: {  	_ =	swait.ge [sflag:s22], s20  }
0xa5: {  	s4 =	ssub.s32 $0x0, s20;
	[sflag:s22] =	ssyncset.done $0x0  }
0xa6: {  	[sflag:s22] =	ssyncadd.s32 s4;
	_ =	sdelay $0x1  }
0xa7: {  	s23 =	simm.s32 $0x1B8B  }
0xa8: {  	_ =	swait.ge [sflag:s23], $0x1  }
0xa9: {  	[sflag:s23] =	ssyncset.done $0x0  }
0xaa: {  	s25 =	simm.s32 $0x1B8E;
	s24 =	sld [smem:$0x3FFE];
	[sflag:s23] =	ssyncadd.s32 $0xFFFFFFFF  }
0xab: {  	s26 =	simm.s32 $execute0_lowered;
	[smem:$0x3FD2] =	sst s25  }
0xac: {  	s5 =	sshll.u32 s26, $0x1;
	_ =	strace $0x80000046;
	[dreg:$0x1] =	wrdreg $0xFFFFFFFF  }
0xad: {  	s28 =	simm.s32 $_size_execute0_lowered;
	s3 =	sadd.s32 s3, s5;
	[dreg:$0x0] =	wrdreg $0x0  }
0xae: {  	s5 =	sshll.u32 s28, $0x1;
	[dreg:$0x2] =	wrdreg s3  }
0xaf: {  	[dreg:$0x3] =	wrdreg s5  }
0xb0: {  	[dreg:$0x4] =	wrdreg $0xC0  }
0xb1: {  	_ =	task [dreg:s7], $0x5FFFF  }
0xb2: {  	[dreg:$0x1] =	wrdreg $0xFFFFFFFF  }
0xb3: {  	[dreg:$0x0] =	wrdreg $0x60  }
0xb4: {  	[dreg:$0x2] =	wrdreg s16  }
0xb5: {  	[dreg:$0x3] =	wrdreg s24  }
0xb6: {  	[dreg:$0x4] =	wrdreg $0x9  }
0xb7: {  	_ =	task.clear_ibuf [dreg:s7], $0x5FFFF;
	_ =	strace $0x90000046  }
0xb8: {  	s29 =	simm.s32 $0x9;
	_ =	strace $0x8000004E  }
0xb9: {  	_ =	swait.ge [sflag:s29], $0x1  }
0xba: {  	[sflag:s29] =	ssyncadd.s32 $0xFFFFFFFF  }
0xbb: {  	_ =	strace $0x9000004E  }
0xbc: {  	_ =	sfence  }
0xbd: {  	s30 =	sld [smem:$0x0];
	_ =	sdelay $0x2  }
0xbe: {  	s31 =	sshll.u32 s1, $0xD;
	s1 =	sshrl.u32 s1, $0x2  }
0xbf: {  	s3 =	sand.u32 $0x4000, s31;
	s1 =	sadd.s32 s1, s30  }
0xc0: {  	s0 =	sor.u32 s3, s0;
	s1 =	sshll.u32 s1, $0x11  }
0xc1: {  	s0 =	sor.u32 s1, s0  }
0xc2: {  	s0 =	sadd.s32 $0x8F2B, s0  }
0xc3: {  	[sflag:s0] =	ssyncadd.remote.s32 $0x1  }
0xc4: {  	_ =	sfence.sel $0xFFFF  }
0xc5: {  	[dreg:$0x0] =	wrdreg $0xFFFFFFFF;
	(pc) =	sbr.abs _section_cstart, $3  }
0xc6: {  	[dreg:$0x1] =	wrdreg $0xFFFFFFFF  }
0xc7: {  	_ =	task.clear_ibuf [dreg:s7], $0x2FFFF;
	_ =	strace $0x9FFFFFFF  }
0xc8: {  	(tm) =	ssettm $0x7FFFFFFF  }
0xc9: {  	_ =	shalt  }
tec
execute0_lowered:
.L_overlay_start_1:
0x0: {  	(tag) =	ssettag $0x1  }
0x1: {  	s1 =	rddreg [dreg:$0x0]  }
0x2: {  	s5 =	rddreg [dreg:$0x1]  }
0x3: {  	s0 =	rddreg [dreg:$0x2];
	s2 =	simm.s32 $0x0  }
0x4: {  	s3 =	srdreg.scid;
	s10 =	simm.s32 $0x100;
	s11 =	simm.s32 $0x5  }
0x5: {  	s12 =	simm.s32 $0x0;
	[smem:$0x7FF] =	sst s2;
	s6 =	sand.u32 $0x1, s3  }
0x6: {  	s4 =	sadd.s32 $0x11E00, s5;
	s3 =	stileid.u32;
	s5 =	sadd.s32 $0x12200, s5  }
0x7: {  	_ =	strace $0x80000047;
	s7 =	ssub.s32 $0x2, s6;
	s6 =	sshll.u32 s6, $0x4  }
0x8: {  	v2 =	vlaneseq.u32;
	s31 =	sshll.u32 s3, $0xD;
	s8 =	sshrl.u32 s7, $0x1;
	s30 =	sor.u32 s3, s6  }
0x9: {  	vm0 =	vmmov $0xffff;
	v1 =	vshrl.u32 v2, $0x3;
	s9 =	ssub.s32 s7, s8;
	s6 =	sshll.u32 s30, $0x1;
	s7 =	sshll.u32 s30, $0x5  }
0xa: {  	v0 =	vand.u32 $0x7, v2;
	v2 =	vor.u32 $0x8, v2;
	v1 =	vmul.u32 $0x8, v1;
	s8 =	sadd.s32 s1, s31;
	s7 =	sadd.s32 s4, s7;
	s9 =	smax.u32 s9, $0x1  }
.LBB2_1:
0xb: {  	_ =	strace $0x80000048;
	p0 =	por $0x0, $0x0;
	p2 =	por $0x1, $0x1  }
0xc: {  	[tilespmem:s2], [sflag:$0x1] =	stream.linear.gather [hbm4b:s7+s2], $0x80, $0x200038;
	[tilespmem:$0x10100] =	vst v63  }
0xd: {  	s13 =	simm.s32 $0x0;
	s14 =	simm.s32 $0x0;
	s15 =	simm.s32 $0x1  }
0xe: {  	[tilespmem:s10], [sflag:$0x3] =	stream.linear.gather [hbm4b:s8+s2], $0x8000, $0x200038;
	[tilespmem:$0x10100] =	vst v63  }
0xf: {  	s16 =	simm.s32 $0x0;
	s17 =	simm.s32 $0x1;
	_ =	strace $0x90000048  }
.LBB2_2:
0x10: {  	s18 =	smov.u32 s13;
	s13 =	sadd.s32 $0x1, s13  }
0x11: {  	p1 =	seq.s32 s13, $0x2  }
0x12: {  	s13 =	simm.s32 @p1 $0x0  }
0x13: {  	p1 =	por p2, p2;
	p2 =	sne.s32 s18, s13  }
0x14: {  	s19 =	simm.s32 @!p2 $0x0  }
0x15: {  	s20 =	sadd.s32 s6, s18;
	p3 =	por !p1, !p2;
	s19 =	simm.s32 @p2 $0x1  }
0x16: {  	s20 =	sand.u32 $0x1F, s20;
	p3 =	por !p3, !p3;
	[smem:$0x7FD] =	sst s19  }
0x17: {  	s19 =	sadd.s32 s6, s13;
	s21 =	sand.u32 @p3 $0x1, s17;
	s24 =	simm.s32 @p3 $0x0  }
0x18: {  	s22 =	sshll.u32 @p3 s19, $0x4;
	_ =	strace @p3 $0x80000049;
	s19 =	sand.u32 $0x1F, s19  }
0x19: {  	s23 =	sshll.u32 @p3 s21, $0x7;
	s22 =	sand.u32 @p3 $0x1FFFFFF0, s22;
	p4 =	sne.s32 s20, s19  }
0x1a: {  	s21 =	sadd.s32 @p3 $0x1, s21;
	s22 =	sadd.s32 @p3 s4, s22;
	p5 =	por !p1, !p4  }
0x1b: {  	[tilespmem:s23], [sflag:s21] =	stream.linear.gather @p3 [hbm4b:s22+s24], $0x80, $0x200038;
	[tilespmem:$0x10100] =	vst v63  }
0x1c: {  	p5 =	por !p5, !p5  }
0x1d: {  	p6 =	seq.s32 s18, $0x0;
	s21 =	sadd.s32 $0x1F, s18;
	s18 =	sand.u32 @p5 $0x1, s15  }
0x1e: {  	s21 =	simm.s32 @p6 $0x1;
	_ =	strace @p3 $0x90000049;
	s19 =	sshll.u32 @p5 s19, $0xC  }
0x1f: {  	s23 =	simm.s32 @p5 $0x0;
	s22 =	sshll.u32 @p5 s18, $0xF;
	_ =	strace @p5 $0x8000004A  }
0x20: {  	s18 =	sadd.s32 @p5 $0x3, s18;
	s19 =	sadd.s32 @p5 s1, s19;
	s22 =	sor.u32 @p5 $0x100, s22  }
0x21: {  	[tilespmem:s22], [sflag:s18] =	stream.linear.gather @p5 [hbm4b:s19+s23], $0x8000, $0x200038;
	[tilespmem:$0x10100] =	vst v63  }
0x22: {  	s21 =	sadd.s32 s6, s21;
	s22 =	sand.u32 $0x1, s16;
	_ =	strace @p5 $0x9000004A  }
0x23: {  	s18 =	sand.u32 $0x1F, s21;
	s19 =	sadd.s32 $0x1, s22;
	_ =	strace $0x8000004B  }
0x24: {  	p2 =	por !p1, !p1;
	p6 =	seq.s32 s20, s18;
	_ =	swait.ge [sflag:s19], $0x80  }
0x25: {  	p2 =	por !p2, !p6;
	[sflag:s19] =	ssyncset.done $0x0  }
0x26: {  	p2 =	por !p2, !p2;
	[sflag:s19] =	ssyncadd.s32 $0xFFFFFF80  }
0x27: {  	s18 =	sand.u32 @!p2 $0x1, s14;
	_ =	strace $0x9000004B  }
0x28: {  	s18 =	sadd.s32 @!p2 $0x3, s18;
	_ =	strace @!p2 $0x8000004C  }
0x29: {  	_ =	swait.ge @!p2 [sflag:s18], $0x8000  }
0x2a: {  	[sflag:s18] =	ssyncset.done @!p2 $0x0  }
0x2b: {  	[sflag:s18] =	ssyncadd.s32 @!p2 $0xFFFF8000  }
0x2c: {  	s23 =	sshll.u32 s16, $0x7;
	_ =	strace @!p2 $0x9000004C  }
0x2d: {  	s19 =	sand.u32 $0x80, s23;
	_ =	strace $0x8000004D  }
0x2e: {  	v3 =	vld [tilespmem:s19+$0x0];
	_ =	sdelay $0x4  }
0x2f: {  	v4 =	vshll.u32 v3, $0x1  }
0x30: {  	v3 =	vand.u32 $0x7, v3;
	v4 =	vand.u32 $0xFFFFFFF0, v4  }
0x31: {  	v3 =	vor.u32 v3, v4  }
0x32: {  	v4 =	vperm.xlane v3, v0;
	_ =	sdelay $0x1  }
0x33: {  	v3 =	vperm.xlane v3, v2;
	v4 =	vadd.s32 v1, v4;
	_ =	sdelay $0x1  }
0x34: {  	s24 =	sshll.u32 s14, $0xF;
	v3 =	vadd.s32 v1, v3  }
0x35: {  	s18 =	sand.u32 $0x8000, s24  }
0x36: {  	s25 =	sor.u32 $0x100, s18  }
0x37: {  	[hbm4b:s5+s2] =	stream.indirect_vreg.scatter [tilespmem:s25], [sflag:$0x5], $0x80, v4, vm0, $0x2000b8;
	[tilespmem:$0x10100] =	vst v63  }
0x38: {  	s26 =	sor.u32 $0x900, s18  }
0x39: {  	[hbm4b:s5+s2] =	stream.indirect_vreg.scatter [tilespmem:s26], [sflag:$0x5], $0x80, v3, vm0, $0x2000b8;
	[tilespmem:$0x10100] =	vst v63  }
0x3a: {  	v3 =	vld [tilespmem:s19+$0x10];
	_ =	sdelay $0x4  }
0x3b: {  	v57 =	vshll.u32 v3, $0x1  }
0x3c: {  	v3 =	vand.u32 $0x7, v3;
	v4 =	vand.u32 $0xFFFFFFF0, v57  }
0x3d: {  	v3 =	vor.u32 v3, v4  }
0x3e: {  	v4 =	vperm.xlane v3, v0;
	_ =	sdelay $0x1  }
0x3f: {  	v3 =	vperm.xlane v3, v2;
	v4 =	vadd.s32 v1, v4;
	_ =	sdelay $0x1  }
0x40: {  	v3 =	vadd.s32 v1, v3;
	_ =	sdelay $0x1  }
0x41: {  	s28 =	sor.u32 $0x1100, s18  }
0x42: {  	[hbm4b:s5+s2] =	stream.indirect_vreg.scatter [tilespmem:s28], [sflag:$0x5], $0x80, v4, vm0, $0x2000b8;
	[tilespmem:$0x10100] =	vst v63  }
0x43: {  	s29 =	sor.u32 $0x1900, s18  }
0x44: {  	[hbm4b:s5+s2] =	stream.indirect_vreg.scatter [tilespmem:s29], [sflag:$0x5], $0x80, v3, vm0, $0x2000b8;
	[tilespmem:$0x10100] =	vst v63  }
0x45: {  	v3 =	vld [tilespmem:s19+$0x20];
	_ =	sdelay $0x4  }
0x46: {  	v58 =	vshll.u32 v3, $0x1  }
0x47: {  	v3 =	vand.u32 $0x7, v3;
	v4 =	vand.u32 $0xFFFFFFF0, v58  }
0x48: {  	v3 =	vor.u32 v3, v4  }
0x49: {  	v4 =	vperm.xlane v3, v0;
	_ =	sdelay $0x1  }
0x4a: {  	v3 =	vperm.xlane v3, v2;
	v4 =	vadd.s32 v1, v4;
	_ =	sdelay $0x1  }
0x4b: {  	v3 =	vadd.s32 v1, v3;
	_ =	sdelay $0x1  }
0x4c: {  	s30 =	sor.u32 $0x2100, s18  }
0x4d: {  	[hbm4b:s5+s2] =	stream.indirect_vreg.scatter [tilespmem:s30], [sflag:$0x5], $0x80, v4, vm0, $0x2000b8;
	[tilespmem:$0x10100] =	vst v63  }
0x4e: {  	s31 =	sor.u32 $0x2900, s18  }
0x4f: {  	[hbm4b:s5+s2] =	stream.indirect_vreg.scatter [tilespmem:s31], [sflag:$0x5], $0x80, v3, vm0, $0x2000b8;
	[tilespmem:$0x10100] =	vst v63  }
0x50: {  	v3 =	vld [tilespmem:s19+$0x30];
	_ =	sdelay $0x4  }
0x51: {  	v59 =	vshll.u32 v3, $0x1  }
0x52: {  	v3 =	vand.u32 $0x7, v3;
	v4 =	vand.u32 $0xFFFFFFF0, v59  }
0x53: {  	v3 =	vor.u32 v3, v4  }
0x54: {  	v4 =	vperm.xlane v3, v0;
	_ =	sdelay $0x1  }
0x55: {  	v3 =	vperm.xlane v3, v2;
	v4 =	vadd.s32 v1, v4;
	_ =	sdelay $0x1  }
0x56: {  	v3 =	vadd.s32 v1, v3;
	_ =	sdelay $0x1  }
0x57: {  	s21 =	sor.u32 $0x3100, s18  }
0x58: {  	[hbm4b:s5+s2] =	stream.indirect_vreg.scatter [tilespmem:s21], [sflag:$0x5], $0x80, v4, vm0, $0x2000b8;
	[tilespmem:$0x10100] =	vst v63  }
0x59: {  	s22 =	sor.u32 $0x3900, s18  }
0x5a: {  	[hbm4b:s5+s2] =	stream.indirect_vreg.scatter [tilespmem:s22], [sflag:$0x5], $0x80, v3, vm0, $0x2000b8;
	[tilespmem:$0x10100] =	vst v63  }
0x5b: {  	v3 =	vld [tilespmem:s19+$0x40];
	_ =	sdelay $0x4  }
0x5c: {  	v60 =	vshll.u32 v3, $0x1  }
0x5d: {  	v3 =	vand.u32 $0x7, v3;
	v4 =	vand.u32 $0xFFFFFFF0, v60  }
0x5e: {  	v3 =	vor.u32 v3, v4  }
0x5f: {  	v4 =	vperm.xlane v3, v0;
	_ =	sdelay $0x1  }
0x60: {  	v3 =	vperm.xlane v3, v2;
	v4 =	vadd.s32 v1, v4;
	_ =	sdelay $0x1  }
0x61: {  	v3 =	vadd.s32 v1, v3;
	_ =	sdelay $0x1  }
0x62: {  	s23 =	sor.u32 $0x4100, s18  }
0x63: {  	[hbm4b:s5+s2] =	stream.indirect_vreg.scatter [tilespmem:s23], [sflag:$0x5], $0x80, v4, vm0, $0x2000b8;
	[tilespmem:$0x10100] =	vst v63  }
0x64: {  	s24 =	sor.u32 $0x4900, s18  }
0x65: {  	[hbm4b:s5+s2] =	stream.indirect_vreg.scatter [tilespmem:s24], [sflag:$0x5], $0x80, v3, vm0, $0x2000b8;
	[tilespmem:$0x10100] =	vst v63  }
0x66: {  	v3 =	vld [tilespmem:s19+$0x50];
	_ =	sdelay $0x4  }
0x67: {  	v61 =	vshll.u32 v3, $0x1  }
0x68: {  	v3 =	vand.u32 $0x7, v3;
	v4 =	vand.u32 $0xFFFFFFF0, v61  }
0x69: {  	v3 =	vor.u32 v3, v4  }
0x6a: {  	v4 =	vperm.xlane v3, v0;
	_ =	sdelay $0x1  }
0x6b: {  	v3 =	vperm.xlane v3, v2;
	v4 =	vadd.s32 v1, v4;
	_ =	sdelay $0x1  }
0x6c: {  	v3 =	vadd.s32 v1, v3;
	_ =	sdelay $0x1  }
0x6d: {  	s25 =	sor.u32 $0x5100, s18  }
0x6e: {  	[hbm4b:s5+s2] =	stream.indirect_vreg.scatter [tilespmem:s25], [sflag:$0x5], $0x80, v4, vm0, $0x2000b8;
	[tilespmem:$0x10100] =	vst v63  }
0x6f: {  	s26 =	sor.u32 $0x5900, s18  }
0x70: {  	[hbm4b:s5+s2] =	stream.indirect_vreg.scatter [tilespmem:s26], [sflag:$0x5], $0x80, v3, vm0, $0x2000b8;
	[tilespmem:$0x10100] =	vst v63  }
0x71: {  	v3 =	vld [tilespmem:s19+$0x60];
	_ =	sdelay $0x4  }
0x72: {  	v62 =	vshll.u32 v3, $0x1  }
0x73: {  	v3 =	vand.u32 $0x7, v3;
	v4 =	vand.u32 $0xFFFFFFF0, v62  }
0x74: {  	v3 =	vor.u32 v3, v4  }
0x75: {  	v4 =	vperm.xlane v3, v0;
	_ =	sdelay $0x1  }
0x76: {  	v3 =	vperm.xlane v3, v2;
	v4 =	vadd.s32 v1, v4;
	_ =	sdelay $0x1  }
0x77: {  	v3 =	vadd.s32 v1, v3;
	_ =	sdelay $0x1  }
0x78: {  	s28 =	sor.u32 $0x6100, s18  }
0x79: {  	[hbm4b:s5+s2] =	stream.indirect_vreg.scatter [tilespmem:s28], [sflag:$0x5], $0x80, v4, vm0, $0x2000b8;
	[tilespmem:$0x10100] =	vst v63  }
0x7a: {  	s29 =	sor.u32 $0x6900, s18  }
0x7b: {  	[hbm4b:s5+s2] =	stream.indirect_vreg.scatter [tilespmem:s29], [sflag:$0x5], $0x80, v3, vm0, $0x2000b8;
	[tilespmem:$0x10100] =	vst v63  }
0x7c: {  	v3 =	vld [tilespmem:s19+$0x70];
	_ =	sdelay $0x4  }
0x7d: {  	v63 =	vshll.u32 v3, $0x1  }
0x7e: {  	v3 =	vand.u32 $0x7, v3;
	v4 =	vand.u32 $0xFFFFFFF0, v63  }
0x7f: {  	v3 =	vor.u32 v3, v4  }
0x80: {  	v4 =	vperm.xlane v3, v0;
	_ =	sdelay $0x1  }
0x81: {  	v3 =	vperm.xlane v3, v2;
	v4 =	vadd.s32 v1, v4;
	_ =	sdelay $0x1  }
0x82: {  	v3 =	vadd.s32 v1, v3;
	_ =	sdelay $0x1  }
0x83: {  	s30 =	sor.u32 $0x7100, s18  }
0x84: {  	[hbm4b:s5+s2] =	stream.indirect_vreg.scatter [tilespmem:s30], [sflag:$0x5], $0x80, v4, vm0, $0x2000b8;
	[tilespmem:$0x10100] =	vst v63  }
0x85: {  	s18 =	sor.u32 $0x7900, s18  }
0x86: {  	[hbm4b:s5+s2] =	stream.indirect_vreg.scatter [tilespmem:s18], [sflag:$0x5], $0x80, v3, vm0, $0x2000b8;
	[tilespmem:$0x10100] =	vst v63  }
0x87: {  	s20 =	simm.s32 $0x1;
	s19 =	simm.s32 $0x1;
	_ =	swait.ge [sflag:s11], $0x8000  }
0x88: {  	s20 =	simm.s32 @!p5 $0x0;
	s19 =	simm.s32 @!p3 $0x0;
	s31 =	sld [smem:$0x7FD]  }
0x89: {  	s15 =	sadd.s32 s20, s15;
	s17 =	sadd.s32 s19, s17  }
.Ltmp0:
0x8a: {  	s19 =	simm.s32 $0x1;
	[sflag:s11] =	ssyncset.done $0x0;
	(pc) =	sbr.rel @p1 .LBB2_2-.Ltmp0, $4  }
0x8b: {  	s18 =	simm.s32 $0x1;
	[sflag:s11] =	ssyncadd.s32 $0xFFFF8000;
	p6 =	seq.s32 s31, $0x1  }
0x8c: {  	_ =	strace $0x9000004D;
	p2 =	por p0, p6;
	p0 =	por p0, p4  }
0x8d: {  	s18 =	simm.s32 @!p2 $0x0;
	s19 =	simm.s32 @!p0 $0x0;
	p2 =	por $0x0, $0x0  }
0x8e: {  	p0 =	por $0x1, $0x1;
	s16 =	sadd.s32 s18, s16;
	s14 =	sadd.s32 s19, s14  }
0x8f: {  	s12 =	sadd.s32 $0x1, s12  }
0x90: {  	p0 =	sne.s32 s12, s9  }
.Ltmp1:
0x91: {  	_ = 	snop;
	(pc) =	sbr.rel @p0 .LBB2_1-.Ltmp1, $1  }
0x92: {  	_ =	sdelay $0x3  }
0x93: {  	_ =	sfence.sel $0x180000  }
0x94: {  	[bflag:$0x0] =	sbarrier.arrive $0xFFFF  }
0x95: {  	p0 =	sne.s32 s3, $0x0;
	_ =	strace $0x90000047  }
0x96: {  	s0 =	sadd.s32 @!p0 $0x100000, s0;
	[bflag:$0x2] =	sbarrier.arrive $0xFFFF  }
0x97: {  	[sflag:s0] =	ssyncadd.tile.s32 @!p0 $0x1;
	_ =	shalt  }
.Lfunc_end2:
_tile_overlayer_lowered:
.L_overlay_start_2:
0x98: {  	(tag) =	ssettag $0x2  }
0x99: {  	s0 =	rddreg [dreg:$0x0];
	s2 =	stileid.u32  }
0x9a: {  	s1 =	rddreg [dreg:$0x1];
	p0 =	sne.s32 s2, $0x0  }
0x9b: {  	s3 =	rddreg [dreg:$0x2];
	[bflag:$0x3] =	sbarrier.arrive $0xFFFF;
	s2 =	simm.s32 @!p0 $0x1C01  }
0x9c: {  	[timem:s3], [sflag:s2] =	dma.local @!p0 [hbm:s0], s1  }
0x9d: {  	s0 =	simm.s32 @!p0 $0x1  }
0x9e: {  	_ =	swait.ge @!p0 [sflag:s0], s1  }
0x9f: {  	s1 =	ssub.s32 @!p0 $0x0, s1;
	[sflag:s0] =	ssyncset.done @!p0 $0x0  }
0xa0: {  	[sflag:s0] =	ssyncadd.s32 @!p0 s1  }
0xa1: {  	[bflag:$0x3] =	sbarrier.arrive $0xFFFF  }
0xa2: {  	_ =	shalt  }

</sc_bundles>
